<compile_context>
chip_gen: v7x
topology: tpu7x:2x2x1
jax: 0.10.2.dev20260603
libtpu: 0.0.44.dev20260713+nightly
codegen_flags: <defaults>
</compile_context>

<pallas_src>
import functools
import jax
import jax.numpy as jnp
from jax import lax
from jax.experimental import pallas as pl
from jax.experimental.pallas import tpu as pltpu
from jax.experimental.pallas import tpu_sc as plsc

_TCH = 16


def kernel(x, pos):
    B, T, D = x.shape

    info = plsc.get_sparse_core_info()
    nc, ns = info.num_cores, info.num_subcores
    nw = nc * ns
    tpw = T // nw
    assert T % nw == 0
    tch = min(_TCH, tpw)
    ntc = tpw // tch
    assert tpw % tch == 0
    niter = ntc * B

    mesh = plsc.VectorSubcoreMesh(core_axis_name="c", subcore_axis_name="s")

    @functools.partial(
        pl.kernel,
        out_type=jax.ShapeDtypeStruct((B, T, D), jnp.float32),
        mesh=mesh,
        scratch_types=[
            pltpu.VMEM((2, tch, D), jnp.float32),
            pltpu.VMEM((2, tch, D), jnp.float32),
            pltpu.SemaphoreType.DMA((2,)),
            pltpu.SemaphoreType.DMA((2,)),
            pltpu.SemaphoreType.DMA((2,)),
        ],
    )
    def k(x_hbm, p_hbm, o_hbm, xb, pb, xsem, psem, osem):
        wid = lax.axis_index("c") * ns + lax.axis_index("s")
        t0w = wid * tpw

        def x_view(i):
            tc = lax.div(i, B)
            b = lax.rem(i, B)
            return x_hbm.at[b, pl.ds(t0w + tc * tch, tch), :]

        def o_view(i):
            tc = lax.div(i, B)
            b = lax.rem(i, B)
            return o_hbm.at[b, pl.ds(t0w + tc * tch, tch), :]

        def p_view(tc):
            return p_hbm.at[pl.ds(t0w + tc * tch, tch), :]

        def start_x(i, slot):
            pltpu.async_copy(x_view(i), xb.at[slot], xsem.at[slot])

        def start_p(tc, pslot):
            pltpu.async_copy(p_view(tc), pb.at[pslot], psem.at[pslot])

        start_p(0, 0)
        start_x(0, 0)

        @pl.loop(0, niter)
        def _(i):
            slot = lax.rem(i, 2)
            nslot = lax.rem(i + 1, 2)

            @pl.when(i + 1 < niter)
            def _():
                @pl.when(i >= 1)
                def _():
                    pltpu.make_async_copy(
                        xb.at[nslot], o_view(i - 1), osem.at[nslot]
                    ).wait()

                start_x(i + 1, nslot)

                @pl.when(lax.rem(i + 1, B) == 0)
                def _():
                    ntc_next = lax.div(i + 1, B)
                    start_p(ntc_next, lax.rem(ntc_next, 2))

            pltpu.make_async_copy(x_view(i), xb.at[slot], xsem.at[slot]).wait()

            tc = lax.div(i, B)
            pslot = lax.rem(tc, 2)

            @pl.when(lax.rem(i, B) == 0)
            def _():
                pltpu.make_async_copy(p_view(tc), pb.at[pslot], psem.at[pslot]).wait()

            @pl.loop(0, tch)
            def _(r):
                @pl.loop(0, D, step=16, unroll=8)
                def _(j):
                    plsc.addupdate(
                        xb.at[slot, r, pl.ds(j, 16)], pb[pslot, r, pl.ds(j, 16)]
                    )

            pltpu.async_copy(xb.at[slot], o_view(i), osem.at[slot])

        pltpu.make_async_copy(
            xb.at[lax.rem(niter - 2, 2)], o_view(niter - 2), osem.at[lax.rem(niter - 2, 2)]
        ).wait()
        pltpu.make_async_copy(
            xb.at[lax.rem(niter - 1, 2)], o_view(niter - 1), osem.at[lax.rem(niter - 1, 2)]
        ).wait()

    return k(x, pos[:T])

# --- scband reference (transcript-rebuilt; emitter-appended) ---
"""Pipeline reference for scband-learned-positional-embedding-10831907521175 (READ-ONLY COPY).

The authoritative reference and input builder live on the scoring server;
editing this copy changes nothing except your own understanding.
"""

import jax, jax.numpy as jnp
import numpy as np

DIM = 1024
MAX_LEN = 4096
B, T = 4, 4096

def setup_inputs(seed: int = 0) -> dict:
    key = jax.random.key(seed)
    kx, kp = jax.random.split(key)
    x = jax.random.normal(kx, (B, T, DIM), dtype=jnp.float32)
    pos = jax.random.normal(kp, (MAX_LEN, DIM), dtype=jnp.float32) * 0.02
    return {"x": x, "pos": pos}

def reference(x, pos):
    T_ = x.shape[1]
    idx = jnp.arange(T_)
    pe = jnp.take(pos, idx, axis=0)  # [T, dim]
    return x + pe[None, :, :]

if __name__ == "__main__":
    import jax
    _d = setup_inputs()
    print(jax.jit(kernel)(*tuple(_d.values())))

</pallas_src>

<mosaic_0001>
#map = affine_map<(d0, d1) -> (0, 0, 0)>
#map1 = affine_map<(d0, d1) -> (0, 0)>
module attributes {stable_mosaic.version = 14 : i64} {
  func.func @k(%arg0: i32, %arg1: i32, %arg2: memref<4x4096x1024xf32, #tpu.memory_space<hbm>>, %arg3: memref<4096x1024xf32, #tpu.memory_space<hbm>>, %arg4: memref<4x4096x1024xf32, #tpu.memory_space<hbm>>, %arg5: memref<2x16x1024xf32, #tpu.memory_space<vmem>>, %arg6: memref<2x16x1024xf32, #tpu.memory_space<vmem>>, %arg7: memref<2x!tpu.dma_semaphore, #tpu.memory_space<semaphore_mem>>, %arg8: memref<2x!tpu.dma_semaphore, #tpu.memory_space<semaphore_mem>>, %arg9: memref<2x!tpu.dma_semaphore, #tpu.memory_space<semaphore_mem>>) attributes {dimension_semantics = [#tpu.dimension_semantics<core_parallel>, #tpu.dimension_semantics<subcore_parallel>], iteration_bounds = array<i64: 2, 16>, scalar_prefetch = 0 : i64, scratch_operands = 5 : i64, tpu.core_type = #tpu.core_type<sc_vector_subcore>, window_params = [{transform_indices = #map}, {transform_indices = #map1}, {transform_indices = #map}]} {
    %mul3A = arith.constant 16 : i32
    %mul3A_0 = arith.muli %arg0, %mul3A : i32
    %add3A = arith.addi %mul3A_0, %arg1 : i32
    %mul3A_1 = arith.constant 128 : i32
    %mul3A_2 = arith.muli %add3A, %mul3A_1 : i32
    %add3A_3 = arith.constant 0 : i32
    %add3A_4 = arith.addi %mul3A_2, %add3A_3 : i32
    %dma_start3A = arith.constant 0 : i32
    %dma_start3A_5 = arith.constant 0 : i32
    %dma_start3A_6 = arith.constant 0 : i32
    %dma_start3A_7 = arith.constant 0 : i32
    %dma_start3A_8 = tpu.memref_slice %arg6[%dma_start3A, %dma_start3A_6, %dma_start3A_7] : memref<2x16x1024xf32, #tpu.memory_space<vmem>> -> memref<1x16x1024xf32, #tpu.memory_space<vmem>>
    %dma_start3A_9 = tpu.memref_squeeze %dma_start3A_8 : memref<1x16x1024xf32, #tpu.memory_space<vmem>> -> memref<16x1024xf32, #tpu.memory_space<vmem>>
    %dma_start3A_10 = arith.constant 0 : i32
    %dma_start3A_11 = tpu.memref_slice %arg3[%add3A_4, %dma_start3A_10] : memref<4096x1024xf32, #tpu.memory_space<hbm>> -> memref<16x1024xf32, #tpu.memory_space<hbm>>
    %dma_start3A_12 = tpu.memref_slice %arg8[%dma_start3A_5] : memref<2x!tpu.dma_semaphore, #tpu.memory_space<semaphore_mem>> -> memref<1x!tpu.dma_semaphore, #tpu.memory_space<semaphore_mem>>
    %dma_start3A_13 = tpu.memref_squeeze %dma_start3A_12 : memref<1x!tpu.dma_semaphore, #tpu.memory_space<semaphore_mem>> -> memref<!tpu.dma_semaphore, #tpu.memory_space<semaphore_mem>>
    %dma_start3A_14 = arith.constant 0 : i32
    %dma_start3A_15 = arith.constant 0 : i32
    %dma_start3A_16 = tpu.memref_slice %arg6[%dma_start3A, %dma_start3A_14, %dma_start3A_15] : memref<2x16x1024xf32, #tpu.memory_space<vmem>> -> memref<1x16x1024xf32, #tpu.memory_space<vmem>>
    %dma_start3A_17 = tpu.memref_squeeze %dma_start3A_16 : memref<1x16x1024xf32, #tpu.memory_space<vmem>> -> memref<16x1024xf32, #tpu.memory_space<vmem>>
    %dma_start3A_18 = arith.constant 0 : i32
    %dma_start3A_19 = tpu.memref_slice %arg3[%add3A_4, %dma_start3A_18] : memref<4096x1024xf32, #tpu.memory_space<hbm>> -> memref<16x1024xf32, #tpu.memory_space<hbm>>
    tpu.enqueue_dma source(%dma_start3A_19 : memref<16x1024xf32, #tpu.memory_space<hbm>>) target(%dma_start3A_17 : memref<16x1024xf32, #tpu.memory_space<vmem>>) target_semaphore(%dma_start3A_13 : memref<!tpu.dma_semaphore, #tpu.memory_space<semaphore_mem>>)
    %div3A = arith.constant 0 : i32
    %div3A_20 = arith.constant 4 : i32
    %div3A_21 = arith.divsi %div3A, %div3A_20 : i32
    %rem3A = arith.constant 0 : i32
    %rem3A_22 = arith.constant 4 : i32
    %rem3A_23 = arith.remsi %rem3A, %rem3A_22 : i32
    %mul3A_24 = arith.constant 16 : i32
    %mul3A_25 = arith.muli %div3A_21, %mul3A_24 : i32
    %add3A_26 = arith.addi %mul3A_2, %mul3A_25 : i32
    %dma_start3A_27 = arith.constant 0 : i32
    %dma_start3A_28 = arith.constant 0 : i32
    %dma_start3A_29 = arith.constant 0 : i32
    %dma_start3A_30 = arith.constant 0 : i32
    %dma_start3A_31 = tpu.memref_slice %arg5[%dma_start3A_27, %dma_start3A_29, %dma_start3A_30] : memref<2x16x1024xf32, #tpu.memory_space<vmem>> -> memref<1x16x1024xf32, #tpu.memory_space<vmem>>
    %dma_start3A_32 = tpu.memref_squeeze %dma_start3A_31 : memref<1x16x1024xf32, #tpu.memory_space<vmem>> -> memref<16x1024xf32, #tpu.memory_space<vmem>>
    %dma_start3A_33 = arith.constant 0 : i32
    %dma_start3A_34 = tpu.memref_slice %arg2[%rem3A_23, %add3A_26, %dma_start3A_33] : memref<4x4096x1024xf32, #tpu.memory_space<hbm>> -> memref<1x16x1024xf32, #tpu.memory_space<hbm>>
    %dma_start3A_35 = tpu.memref_squeeze %dma_start3A_34 : memref<1x16x1024xf32, #tpu.memory_space<hbm>> -> memref<16x1024xf32, #tpu.memory_space<hbm>>
    %dma_start3A_36 = tpu.memref_slice %arg7[%dma_start3A_28] : memref<2x!tpu.dma_semaphore, #tpu.memory_space<semaphore_mem>> -> memref<1x!tpu.dma_semaphore, #tpu.memory_space<semaphore_mem>>
    %dma_start3A_37 = tpu.memref_squeeze %dma_start3A_36 : memref<1x!tpu.dma_semaphore, #tpu.memory_space<semaphore_mem>> -> memref<!tpu.dma_semaphore, #tpu.memory_space<semaphore_mem>>
    %dma_start3A_38 = arith.constant 0 : i32
    %dma_start3A_39 = arith.constant 0 : i32
    %dma_start3A_40 = tpu.memref_slice %arg5[%dma_start3A_27, %dma_start3A_38, %dma_start3A_39] : memref<2x16x1024xf32, #tpu.memory_space<vmem>> -> memref<1x16x1024xf32, #tpu.memory_space<vmem>>
    %dma_start3A_41 = tpu.memref_squeeze %dma_start3A_40 : memref<1x16x1024xf32, #tpu.memory_space<vmem>> -> memref<16x1024xf32, #tpu.memory_space<vmem>>
    %dma_start3A_42 = arith.constant 0 : i32
    %dma_start3A_43 = tpu.memref_slice %arg2[%rem3A_23, %add3A_26, %dma_start3A_42] : memref<4x4096x1024xf32, #tpu.memory_space<hbm>> -> memref<1x16x1024xf32, #tpu.memory_space<hbm>>
    %dma_start3A_44 = tpu.memref_squeeze %dma_start3A_43 : memref<1x16x1024xf32, #tpu.memory_space<hbm>> -> memref<16x1024xf32, #tpu.memory_space<hbm>>
    tpu.enqueue_dma source(%dma_start3A_44 : memref<16x1024xf32, #tpu.memory_space<hbm>>) target(%dma_start3A_41 : memref<16x1024xf32, #tpu.memory_space<vmem>>) target_semaphore(%dma_start3A_37 : memref<!tpu.dma_semaphore, #tpu.memory_space<semaphore_mem>>)
    %scan3A = arith.constant 0 : i32
    %scan3A_45 = arith.constant 32 : i32
    %scan3A_46 = arith.addi %scan3A, %scan3A_45 : i32
    %scan3A_47 = arith.constant 1 : i32
    scf.for %scan3A_110 = %scan3A to %scan3A_46 step %scan3A_47  : i32 {
      %mul3A_111 = arith.constant 1 : i32
      %mul3A_112 = arith.muli %scan3A_110, %mul3A_111 : i32
      %add3A_113 = arith.constant 0 : i32
      %add3A_114 = arith.addi %add3A_113, %mul3A_112 : i32
      %rem3A_115 = arith.constant 2 : i32
      %rem3A_116 = arith.remsi %add3A_114, %rem3A_115 : i32
      %add3A_117 = arith.constant 1 : i32
      %add3A_118 = arith.addi %add3A_114, %add3A_117 : i32
      %rem3A_119 = arith.constant 2 : i32
      %rem3A_120 = arith.remsi %add3A_118, %rem3A_119 : i32
      %add3A_121 = arith.constant 1 : i32
      %add3A_122 = arith.addi %add3A_114, %add3A_121 : i32
      %lt3A = arith.constant 32 : i32
      %lt3A_123 = arith.cmpi slt, %add3A_122, %lt3A : i32
      %convert_element_type3A = arith.extui %lt3A_123 : i1 to i32
      %cond3A = arith.constant 0 : i32
      %cond3A_124 = arith.cmpi ne, %convert_element_type3A, %cond3A : i32
      scf.if %cond3A_124 {
        %ge3A = arith.constant 1 : i32
        %ge3A_186 = arith.cmpi sge, %add3A_114, %ge3A : i32
        %convert_element_type3A_187 = arith.extui %ge3A_186 : i1 to i32
        %cond3A_188 = arith.constant 0 : i32
        %cond3A_189 = arith.cmpi ne, %convert_element_type3A_187, %cond3A_188 : i32
        scf.if %cond3A_189 {
          %sub3A = arith.constant 1 : i32
          %sub3A_224 = arith.subi %add3A_114, %sub3A : i32
          %div3A_225 = arith.constant 4 : i32
          %div3A_226 = arith.divsi %sub3A_224, %div3A_225 : i32
          %rem3A_227 = arith.constant 4 : i32
          %rem3A_228 = arith.remsi %sub3A_224, %rem3A_227 : i32
          %mul3A_229 = arith.constant 16 : i32
          %mul3A_230 = arith.muli %div3A_226, %mul3A_229 : i32
          %add3A_231 = arith.addi %mul3A_2, %mul3A_230 : i32
          %dma_wait3A_232 = arith.constant 0 : i32
          %dma_wait3A_233 = arith.constant 0 : i32
          %dma_wait3A_234 = tpu.memref_slice %arg5[%rem3A_120, %dma_wait3A_232, %dma_wait3A_233] : memref<2x16x1024xf32, #tpu.memory_space<vmem>> -> memref<1x16x1024xf32, #tpu.memory_space<vmem>>
          %dma_wait3A_235 = tpu.memref_squeeze %dma_wait3A_234 : memref<1x16x1024xf32, #tpu.memory_space<vmem>> -> memref<16x1024xf32, #tpu.memory_space<vmem>>
          %dma_wait3A_236 = arith.constant 0 : i32
          %dma_wait3A_237 = tpu.memref_slice %arg4[%rem3A_228, %add3A_231, %dma_wait3A_236] : memref<4x4096x1024xf32, #tpu.memory_space<hbm>> -> memref<1x16x1024xf32, #tpu.memory_space<hbm>>
          %dma_wait3A_238 = tpu.memref_squeeze %dma_wait3A_237 : memref<1x16x1024xf32, #tpu.memory_space<hbm>> -> memref<16x1024xf32, #tpu.memory_space<hbm>>
          %dma_wait3A_239 = tpu.memref_slice %arg9[%rem3A_120] : memref<2x!tpu.dma_semaphore, #tpu.memory_space<semaphore_mem>> -> memref<1x!tpu.dma_semaphore, #tpu.memory_space<semaphore_mem>>
          %dma_wait3A_240 = tpu.memref_squeeze %dma_wait3A_239 : memref<1x!tpu.dma_semaphore, #tpu.memory_space<semaphore_mem>> -> memref<!tpu.dma_semaphore, #tpu.memory_space<semaphore_mem>>
          %dma_wait3A_241 = arith.constant 0 : i32
          %dma_wait3A_242 = tpu.memref_slice %arg4[%rem3A_228, %add3A_231, %dma_wait3A_241] : memref<4x4096x1024xf32, #tpu.memory_space<hbm>> -> memref<1x16x1024xf32, #tpu.memory_space<hbm>>
          %dma_wait3A_243 = tpu.memref_squeeze %dma_wait3A_242 : memref<1x16x1024xf32, #tpu.memory_space<hbm>> -> memref<16x1024xf32, #tpu.memory_space<hbm>>
          %dma_wait3A_244 = arith.constant 0 : i32
          %dma_wait3A_245 = arith.constant 0 : i32
          %dma_wait3A_246 = tpu.memref_slice %arg5[%rem3A_120, %dma_wait3A_244, %dma_wait3A_245] : memref<2x16x1024xf32, #tpu.memory_space<vmem>> -> memref<1x16x1024xf32, #tpu.memory_space<vmem>>
          %dma_wait3A_247 = tpu.memref_squeeze %dma_wait3A_246 : memref<1x16x1024xf32, #tpu.memory_space<vmem>> -> memref<16x1024xf32, #tpu.memory_space<vmem>>
          tpu.wait_dma2 semaphore(%dma_wait3A_240 : memref<!tpu.dma_semaphore, #tpu.memory_space<semaphore_mem>>) src(%dma_wait3A_247 : memref<16x1024xf32, #tpu.memory_space<vmem>>) dst(%dma_wait3A_243 : memref<16x1024xf32, #tpu.memory_space<hbm>>)
        } else {
        }
        %add3A_190 = arith.constant 1 : i32
        %add3A_191 = arith.addi %add3A_114, %add3A_190 : i32
        %div3A_192 = arith.constant 4 : i32
        %div3A_193 = arith.divsi %add3A_191, %div3A_192 : i32
        %rem3A_194 = arith.constant 4 : i32
        %rem3A_195 = arith.remsi %add3A_191, %rem3A_194 : i32
        %mul3A_196 = arith.constant 16 : i32
        %mul3A_197 = arith.muli %div3A_193, %mul3A_196 : i32
        %add3A_198 = arith.addi %mul3A_2, %mul3A_197 : i32
        %dma_start3A_199 = arith.constant 0 : i32
        %dma_start3A_200 = arith.constant 0 : i32
        %dma_start3A_201 = tpu.memref_slice %arg5[%rem3A_120, %dma_start3A_199, %dma_start3A_200] : memref<2x16x1024xf32, #tpu.memory_space<vmem>> -> memref<1x16x1024xf32, #tpu.memory_space<vmem>>
        %dma_start3A_202 = tpu.memref_squeeze %dma_start3A_201 : memref<1x16x1024xf32, #tpu.memory_space<vmem>> -> memref<16x1024xf32, #tpu.memory_space<vmem>>
        %dma_start3A_203 = arith.constant 0 : i32
        %dma_start3A_204 = tpu.memref_slice %arg2[%rem3A_195, %add3A_198, %dma_start3A_203] : memref<4x4096x1024xf32, #tpu.memory_space<hbm>> -> memref<1x16x1024xf32, #tpu.memory_space<hbm>>
        %dma_start3A_205 = tpu.memref_squeeze %dma_start3A_204 : memref<1x16x1024xf32, #tpu.memory_space<hbm>> -> memref<16x1024xf32, #tpu.memory_space<hbm>>
        %dma_start3A_206 = tpu.memref_slice %arg7[%rem3A_120] : memref<2x!tpu.dma_semaphore, #tpu.memory_space<semaphore_mem>> -> memref<1x!tpu.dma_semaphore, #tpu.memory_space<semaphore_mem>>
        %dma_start3A_207 = tpu.memref_squeeze %dma_start3A_206 : memref<1x!tpu.dma_semaphore, #tpu.memory_space<semaphore_mem>> -> memref<!tpu.dma_semaphore, #tpu.memory_space<semaphore_mem>>
        %dma_start3A_208 = arith.constant 0 : i32
        %dma_start3A_209 = arith.constant 0 : i32
        %dma_start3A_210 = tpu.memref_slice %arg5[%rem3A_120, %dma_start3A_208, %dma_start3A_209] : memref<2x16x1024xf32, #tpu.memory_space<vmem>> -> memref<1x16x1024xf32, #tpu.memory_space<vmem>>
        %dma_start3A_211 = tpu.memref_squeeze %dma_start3A_210 : memref<1x16x1024xf32, #tpu.memory_space<vmem>> -> memref<16x1024xf32, #tpu.memory_space<vmem>>
        %dma_start3A_212 = arith.constant 0 : i32
        %dma_start3A_213 = tpu.memref_slice %arg2[%rem3A_195, %add3A_198, %dma_start3A_212] : memref<4x4096x1024xf32, #tpu.memory_space<hbm>> -> memref<1x16x1024xf32, #tpu.memory_space<hbm>>
        %dma_start3A_214 = tpu.memref_squeeze %dma_start3A_213 : memref<1x16x1024xf32, #tpu.memory_space<hbm>> -> memref<16x1024xf32, #tpu.memory_space<hbm>>
        tpu.enqueue_dma source(%dma_start3A_214 : memref<16x1024xf32, #tpu.memory_space<hbm>>) target(%dma_start3A_211 : memref<16x1024xf32, #tpu.memory_space<vmem>>) target_semaphore(%dma_start3A_207 : memref<!tpu.dma_semaphore, #tpu.memory_space<semaphore_mem>>)
        %add3A_215 = arith.constant 1 : i32
        %add3A_216 = arith.addi %add3A_114, %add3A_215 : i32
        %rem3A_217 = arith.constant 4 : i32
        %rem3A_218 = arith.remsi %add3A_216, %rem3A_217 : i32
        %eq3A_219 = arith.constant 0 : i32
        %eq3A_220 = arith.cmpi eq, %rem3A_218, %eq3A_219 : i32
        %convert_element_type3A_221 = arith.extui %eq3A_220 : i1 to i32
        %cond3A_222 = arith.constant 0 : i32
        %cond3A_223 = arith.cmpi ne, %convert_element_type3A_221, %cond3A_222 : i32
        scf.if %cond3A_223 {
          %add3A_224 = arith.constant 1 : i32
          %add3A_225 = arith.addi %add3A_114, %add3A_224 : i32
          %div3A_226 = arith.constant 4 : i32
          %div3A_227 = arith.divsi %add3A_225, %div3A_226 : i32
          %rem3A_228 = arith.constant 2 : i32
          %rem3A_229 = arith.remsi %div3A_227, %rem3A_228 : i32
          %mul3A_230 = arith.constant 16 : i32
          %mul3A_231 = arith.muli %div3A_227, %mul3A_230 : i32
          %add3A_232 = arith.addi %mul3A_2, %mul3A_231 : i32
          %dma_start3A_233 = arith.constant 0 : i32
          %dma_start3A_234 = arith.constant 0 : i32
          %dma_start3A_235 = tpu.memref_slice %arg6[%rem3A_229, %dma_start3A_233, %dma_start3A_234] : memref<2x16x1024xf32, #tpu.memory_space<vmem>> -> memref<1x16x1024xf32, #tpu.memory_space<vmem>>
          %dma_start3A_236 = tpu.memref_squeeze %dma_start3A_235 : memref<1x16x1024xf32, #tpu.memory_space<vmem>> -> memref<16x1024xf32, #tpu.memory_space<vmem>>
          %dma_start3A_237 = arith.constant 0 : i32
          %dma_start3A_238 = tpu.memref_slice %arg3[%add3A_232, %dma_start3A_237] : memref<4096x1024xf32, #tpu.memory_space<hbm>> -> memref<16x1024xf32, #tpu.memory_space<hbm>>
          %dma_start3A_239 = tpu.memref_slice %arg8[%rem3A_229] : memref<2x!tpu.dma_semaphore, #tpu.memory_space<semaphore_mem>> -> memref<1x!tpu.dma_semaphore, #tpu.memory_space<semaphore_mem>>
          %dma_start3A_240 = tpu.memref_squeeze %dma_start3A_239 : memref<1x!tpu.dma_semaphore, #tpu.memory_space<semaphore_mem>> -> memref<!tpu.dma_semaphore, #tpu.memory_space<semaphore_mem>>
          %dma_start3A_241 = arith.constant 0 : i32
          %dma_start3A_242 = arith.constant 0 : i32
          %dma_start3A_243 = tpu.memref_slice %arg6[%rem3A_229, %dma_start3A_241, %dma_start3A_242] : memref<2x16x1024xf32, #tpu.memory_space<vmem>> -> memref<1x16x1024xf32, #tpu.memory_space<vmem>>
          %dma_start3A_244 = tpu.memref_squeeze %dma_start3A_243 : memref<1x16x1024xf32, #tpu.memory_space<vmem>> -> memref<16x1024xf32, #tpu.memory_space<vmem>>
          %dma_start3A_245 = arith.constant 0 : i32
          %dma_start3A_246 = tpu.memref_slice %arg3[%add3A_232, %dma_start3A_245] : memref<4096x1024xf32, #tpu.memory_space<hbm>> -> memref<16x1024xf32, #tpu.memory_space<hbm>>
          tpu.enqueue_dma source(%dma_start3A_246 : memref<16x1024xf32, #tpu.memory_space<hbm>>) target(%dma_start3A_244 : memref<16x1024xf32, #tpu.memory_space<vmem>>) target_semaphore(%dma_start3A_240 : memref<!tpu.dma_semaphore, #tpu.memory_space<semaphore_mem>>)
        } else {
        }
      } else {
      }
      %div3A_125 = arith.constant 4 : i32
      %div3A_126 = arith.divsi %add3A_114, %div3A_125 : i32
      %rem3A_127 = arith.constant 4 : i32
      %rem3A_128 = arith.remsi %add3A_114, %rem3A_127 : i32
      %mul3A_129 = arith.constant 16 : i32
      %mul3A_130 = arith.muli %div3A_126, %mul3A_129 : i32
      %add3A_131 = arith.addi %mul3A_2, %mul3A_130 : i32
      %dma_wait3A_132 = arith.constant 0 : i32
      %dma_wait3A_133 = arith.constant 0 : i32
      %dma_wait3A_134 = tpu.memref_slice %arg5[%rem3A_116, %dma_wait3A_132, %dma_wait3A_133] : memref<2x16x1024xf32, #tpu.memory_space<vmem>> -> memref<1x16x1024xf32, #tpu.memory_space<vmem>>
      %dma_wait3A_135 = tpu.memref_squeeze %dma_wait3A_134 : memref<1x16x1024xf32, #tpu.memory_space<vmem>> -> memref<16x1024xf32, #tpu.memory_space<vmem>>
      %dma_wait3A_136 = arith.constant 0 : i32
      %dma_wait3A_137 = tpu.memref_slice %arg2[%rem3A_128, %add3A_131, %dma_wait3A_136] : memref<4x4096x1024xf32, #tpu.memory_space<hbm>> -> memref<1x16x1024xf32, #tpu.memory_space<hbm>>
      %dma_wait3A_138 = tpu.memref_squeeze %dma_wait3A_137 : memref<1x16x1024xf32, #tpu.memory_space<hbm>> -> memref<16x1024xf32, #tpu.memory_space<hbm>>
      %dma_wait3A_139 = tpu.memref_slice %arg7[%rem3A_116] : memref<2x!tpu.dma_semaphore, #tpu.memory_space<semaphore_mem>> -> memref<1x!tpu.dma_semaphore, #tpu.memory_space<semaphore_mem>>
      %dma_wait3A_140 = tpu.memref_squeeze %dma_wait3A_139 : memref<1x!tpu.dma_semaphore, #tpu.memory_space<semaphore_mem>> -> memref<!tpu.dma_semaphore, #tpu.memory_space<semaphore_mem>>
      %dma_wait3A_141 = arith.constant 0 : i32
      %dma_wait3A_142 = arith.constant 0 : i32
      %dma_wait3A_143 = tpu.memref_slice %arg5[%rem3A_116, %dma_wait3A_141, %dma_wait3A_142] : memref<2x16x1024xf32, #tpu.memory_space<vmem>> -> memref<1x16x1024xf32, #tpu.memory_space<vmem>>
      %dma_wait3A_144 = tpu.memref_squeeze %dma_wait3A_143 : memref<1x16x1024xf32, #tpu.memory_space<vmem>> -> memref<16x1024xf32, #tpu.memory_space<vmem>>
      %dma_wait3A_145 = arith.constant 0 : i32
      %dma_wait3A_146 = tpu.memref_slice %arg2[%rem3A_128, %add3A_131, %dma_wait3A_145] : memref<4x4096x1024xf32, #tpu.memory_space<hbm>> -> memref<1x16x1024xf32, #tpu.memory_space<hbm>>
      %dma_wait3A_147 = tpu.memref_squeeze %dma_wait3A_146 : memref<1x16x1024xf32, #tpu.memory_space<hbm>> -> memref<16x1024xf32, #tpu.memory_space<hbm>>
      tpu.wait_dma2 semaphore(%dma_wait3A_140 : memref<!tpu.dma_semaphore, #tpu.memory_space<semaphore_mem>>) src(%dma_wait3A_147 : memref<16x1024xf32, #tpu.memory_space<hbm>>) dst(%dma_wait3A_144 : memref<16x1024xf32, #tpu.memory_space<vmem>>)
      %div3A_148 = arith.constant 4 : i32
      %div3A_149 = arith.divsi %add3A_114, %div3A_148 : i32
      %rem3A_150 = arith.constant 2 : i32
      %rem3A_151 = arith.remsi %div3A_149, %rem3A_150 : i32
      %rem3A_152 = arith.constant 4 : i32
      %rem3A_153 = arith.remsi %add3A_114, %rem3A_152 : i32
      %eq3A = arith.constant 0 : i32
      %eq3A_154 = arith.cmpi eq, %rem3A_153, %eq3A : i32
      %convert_element_type3A_155 = arith.extui %eq3A_154 : i1 to i32
      %cond3A_156 = arith.constant 0 : i32
      %cond3A_157 = arith.cmpi ne, %convert_element_type3A_155, %cond3A_156 : i32
      scf.if %cond3A_157 {
        %mul3A_186 = arith.constant 16 : i32
        %mul3A_187 = arith.muli %div3A_149, %mul3A_186 : i32
        %add3A_188 = arith.addi %mul3A_2, %mul3A_187 : i32
        %dma_wait3A_189 = arith.constant 0 : i32
        %dma_wait3A_190 = arith.constant 0 : i32
        %dma_wait3A_191 = tpu.memref_slice %arg6[%rem3A_151, %dma_wait3A_189, %dma_wait3A_190] : memref<2x16x1024xf32, #tpu.memory_space<vmem>> -> memref<1x16x1024xf32, #tpu.memory_space<vmem>>
        %dma_wait3A_192 = tpu.memref_squeeze %dma_wait3A_191 : memref<1x16x1024xf32, #tpu.memory_space<vmem>> -> memref<16x1024xf32, #tpu.memory_space<vmem>>
        %dma_wait3A_193 = arith.constant 0 : i32
        %dma_wait3A_194 = tpu.memref_slice %arg3[%add3A_188, %dma_wait3A_193] : memref<4096x1024xf32, #tpu.memory_space<hbm>> -> memref<16x1024xf32, #tpu.memory_space<hbm>>
        %dma_wait3A_195 = tpu.memref_slice %arg8[%rem3A_151] : memref<2x!tpu.dma_semaphore, #tpu.memory_space<semaphore_mem>> -> memref<1x!tpu.dma_semaphore, #tpu.memory_space<semaphore_mem>>
        %dma_wait3A_196 = tpu.memref_squeeze %dma_wait3A_195 : memref<1x!tpu.dma_semaphore, #tpu.memory_space<semaphore_mem>> -> memref<!tpu.dma_semaphore, #tpu.memory_space<semaphore_mem>>
        %dma_wait3A_197 = arith.constant 0 : i32
        %dma_wait3A_198 = arith.constant 0 : i32
        %dma_wait3A_199 = tpu.memref_slice %arg6[%rem3A_151, %dma_wait3A_197, %dma_wait3A_198] : memref<2x16x1024xf32, #tpu.memory_space<vmem>> -> memref<1x16x1024xf32, #tpu.memory_space<vmem>>
        %dma_wait3A_200 = tpu.memref_squeeze %dma_wait3A_199 : memref<1x16x1024xf32, #tpu.memory_space<vmem>> -> memref<16x1024xf32, #tpu.memory_space<vmem>>
        %dma_wait3A_201 = arith.constant 0 : i32
        %dma_wait3A_202 = tpu.memref_slice %arg3[%add3A_188, %dma_wait3A_201] : memref<4096x1024xf32, #tpu.memory_space<hbm>> -> memref<16x1024xf32, #tpu.memory_space<hbm>>
        tpu.wait_dma2 semaphore(%dma_wait3A_196 : memref<!tpu.dma_semaphore, #tpu.memory_space<semaphore_mem>>) src(%dma_wait3A_202 : memref<16x1024xf32, #tpu.memory_space<hbm>>) dst(%dma_wait3A_200 : memref<16x1024xf32, #tpu.memory_space<vmem>>)
      } else {
      }
      %scan3A_158 = arith.constant 0 : i32
      %scan3A_159 = arith.constant 16 : i32
      %scan3A_160 = arith.addi %scan3A_158, %scan3A_159 : i32
      %scan3A_161 = arith.constant 1 : i32
      scf.for %scan3A_186 = %scan3A_158 to %scan3A_160 step %scan3A_161  : i32 {
        %mul3A_187 = arith.constant 1 : i32
        %mul3A_188 = arith.muli %scan3A_186, %mul3A_187 : i32
        %add3A_189 = arith.constant 0 : i32
        %add3A_190 = arith.addi %add3A_189, %mul3A_188 : i32
        %scan3A_191 = arith.constant 0 : i32
        %scan3A_192 = arith.constant 64 : i32
        %scan3A_193 = arith.addi %scan3A_191, %scan3A_192 : i32
        %scan3A_194 = arith.constant 8 : i32
        scf.for %scan3A_196 = %scan3A_191 to %scan3A_193 step %scan3A_194  : i32 {
          %mul3A_197 = arith.constant 16 : i32
          %mul3A_198 = arith.muli %scan3A_196, %mul3A_197 : i32
          %add3A_199 = arith.constant 0 : i32
          %add3A_200 = arith.addi %add3A_199, %mul3A_198 : i32
          %get3A = arith.index_cast %rem3A_151 : i32 to index
          %get3A_201 = arith.index_cast %add3A_190 : i32 to index
          %get3A_202 = arith.index_cast %add3A_200 : i32 to index
          %get3A_203 = tpu.vector_load %arg6[%get3A, %get3A_201, %get3A_202] {strides = array<i32>} : memref<2x16x1024xf32, #tpu.memory_space<vmem>>, vector<1x1x16xf32>,
          %get3A_204 = vector.shape_cast %get3A_203 : vector<1x1x16xf32> to vector<16xf32>
          %swap3A = arith.index_cast %rem3A_116 : i32 to index
          %swap3A_205 = arith.index_cast %add3A_190 : i32 to index
          %swap3A_206 = arith.index_cast %add3A_200 : i32 to index
          %swap3A_207 = tpu.vector_load %arg5[%swap3A, %swap3A_205, %swap3A_206] {strides = array<i32>} : memref<2x16x1024xf32, #tpu.memory_space<vmem>>, vector<1x1x16xf32>,
          %swap3A_208 = vector.shape_cast %swap3A_207 : vector<1x1x16xf32> to vector<16xf32>
          %swap3A_209 = vector.shape_cast %get3A_204 : vector<16xf32> to vector<1x1x16xf32>
          tpu.vector_store %arg5[%swap3A, %swap3A_205, %swap3A_206], %swap3A_209 {add = true, strides = array<i32>} : memref<2x16x1024xf32, #tpu.memory_space<vmem>>, vector<1x1x16xf32>,
          %scan3A_210 = arith.constant 1 : i32
          %scan3A_211 = arith.addi %scan3A_196, %scan3A_210 : i32
          %mul3A_212 = arith.constant 16 : i32
          %mul3A_213 = arith.muli %scan3A_211, %mul3A_212 : i32
          %add3A_214 = arith.constant 0 : i32
          %add3A_215 = arith.addi %add3A_214, %mul3A_213 : i32
          %get3A_216 = arith.index_cast %rem3A_151 : i32 to index
          %get3A_217 = arith.index_cast %add3A_190 : i32 to index
          %get3A_218 = arith.index_cast %add3A_215 : i32 to index
          %get3A_219 = tpu.vector_load %arg6[%get3A_216, %get3A_217, %get3A_218] {strides = array<i32>} : memref<2x16x1024xf32, #tpu.memory_space<vmem>>, vector<1x1x16xf32>,
          %get3A_220 = vector.shape_cast %get3A_219 : vector<1x1x16xf32> to vector<16xf32>
          %swap3A_221 = arith.index_cast %rem3A_116 : i32 to index
          %swap3A_222 = arith.index_cast %add3A_190 : i32 to index
          %swap3A_223 = arith.index_cast %add3A_215 : i32 to index
          %swap3A_224 = tpu.vector_load %arg5[%swap3A_221, %swap3A_222, %swap3A_223] {strides = array<i32>} : memref<2x16x1024xf32, #tpu.memory_space<vmem>>, vector<1x1x16xf32>,
          %swap3A_225 = vector.shape_cast %swap3A_224 : vector<1x1x16xf32> to vector<16xf32>
          %swap3A_226 = vector.shape_cast %get3A_220 : vector<16xf32> to vector<1x1x16xf32>
          tpu.vector_store %arg5[%swap3A_221, %swap3A_222, %swap3A_223], %swap3A_226 {add = true, strides = array<i32>} : memref<2x16x1024xf32, #tpu.memory_space<vmem>>, vector<1x1x16xf32>,
          %scan3A_227 = arith.constant 2 : i32
          %scan3A_228 = arith.addi %scan3A_196, %scan3A_227 : i32
          %mul3A_229 = arith.constant 16 : i32
          %mul3A_230 = arith.muli %scan3A_228, %mul3A_229 : i32
          %add3A_231 = arith.constant 0 : i32
          %add3A_232 = arith.addi %add3A_231, %mul3A_230 : i32
          %get3A_233 = arith.index_cast %rem3A_151 : i32 to index
          %get3A_234 = arith.index_cast %add3A_190 : i32 to index
          %get3A_235 = arith.index_cast %add3A_232 : i32 to index
          %get3A_236 = tpu.vector_load %arg6[%get3A_233, %get3A_234, %get3A_235] {strides = array<i32>} : memref<2x16x1024xf32, #tpu.memory_space<vmem>>, vector<1x1x16xf32>,
          %get3A_237 = vector.shape_cast %get3A_236 : vector<1x1x16xf32> to vector<16xf32>
          %swap3A_238 = arith.index_cast %rem3A_116 : i32 to index
          %swap3A_239 = arith.index_cast %add3A_190 : i32 to index
          %swap3A_240 = arith.index_cast %add3A_232 : i32 to index
          %swap3A_241 = tpu.vector_load %arg5[%swap3A_238, %swap3A_239, %swap3A_240] {strides = array<i32>} : memref<2x16x1024xf32, #tpu.memory_space<vmem>>, vector<1x1x16xf32>,
          %swap3A_242 = vector.shape_cast %swap3A_241 : vector<1x1x16xf32> to vector<16xf32>
          %swap3A_243 = vector.shape_cast %get3A_237 : vector<16xf32> to vector<1x1x16xf32>
          tpu.vector_store %arg5[%swap3A_238, %swap3A_239, %swap3A_240], %swap3A_243 {add = true, strides = array<i32>} : memref<2x16x1024xf32, #tpu.memory_space<vmem>>, vector<1x1x16xf32>,
          %scan3A_244 = arith.constant 3 : i32
          %scan3A_245 = arith.addi %scan3A_196, %scan3A_244 : i32
          %mul3A_246 = arith.constant 16 : i32
          %mul3A_247 = arith.muli %scan3A_245, %mul3A_246 : i32
          %add3A_248 = arith.constant 0 : i32
          %add3A_249 = arith.addi %add3A_248, %mul3A_247 : i32
          %get3A_250 = arith.index_cast %rem3A_151 : i32 to index
          %get3A_251 = arith.index_cast %add3A_190 : i32 to index
          %get3A_252 = arith.index_cast %add3A_249 : i32 to index
          %get3A_253 = tpu.vector_load %arg6[%get3A_250, %get3A_251, %get3A_252] {strides = array<i32>} : memref<2x16x1024xf32, #tpu.memory_space<vmem>>, vector<1x1x16xf32>,
          %get3A_254 = vector.shape_cast %get3A_253 : vector<1x1x16xf32> to vector<16xf32>
          %swap3A_255 = arith.index_cast %rem3A_116 : i32 to index
          %swap3A_256 = arith.index_cast %add3A_190 : i32 to index
          %swap3A_257 = arith.index_cast %add3A_249 : i32 to index
          %swap3A_258 = tpu.vector_load %arg5[%swap3A_255, %swap3A_256, %swap3A_257] {strides = array<i32>} : memref<2x16x1024xf32, #tpu.memory_space<vmem>>, vector<1x1x16xf32>,
          %swap3A_259 = vector.shape_cast %swap3A_258 : vector<1x1x16xf32> to vector<16xf32>
          %swap3A_260 = vector.shape_cast %get3A_254 : vector<16xf32> to vector<1x1x16xf32>
          tpu.vector_store %arg5[%swap3A_255, %swap3A_256, %swap3A_257], %swap3A_260 {add = true, strides = array<i32>} : memref<2x16x1024xf32, #tpu.memory_space<vmem>>, vector<1x1x16xf32>,
          %scan3A_261 = arith.constant 4 : i32
          %scan3A_262 = arith.addi %scan3A_196, %scan3A_261 : i32
          %mul3A_263 = arith.constant 16 : i32
          %mul3A_264 = arith.muli %scan3A_262, %mul3A_263 : i32
          %add3A_265 = arith.constant 0 : i32
          %add3A_266 = arith.addi %add3A_265, %mul3A_264 : i32
          %get3A_267 = arith.index_cast %rem3A_151 : i32 to index
          %get3A_268 = arith.index_cast %add3A_190 : i32 to index
          %get3A_269 = arith.index_cast %add3A_266 : i32 to index
          %get3A_270 = tpu.vector_load %arg6[%get3A_267, %get3A_268, %get3A_269] {strides = array<i32>} : memref<2x16x1024xf32, #tpu.memory_space<vmem>>, vector<1x1x16xf32>,
          %get3A_271 = vector.shape_cast %get3A_270 : vector<1x1x16xf32> to vector<16xf32>
          %swap3A_272 = arith.index_cast %rem3A_116 : i32 to index
          %swap3A_273 = arith.index_cast %add3A_190 : i32 to index
          %swap3A_274 = arith.index_cast %add3A_266 : i32 to index
          %swap3A_275 = tpu.vector_load %arg5[%swap3A_272, %swap3A_273, %swap3A_274] {strides = array<i32>} : memref<2x16x1024xf32, #tpu.memory_space<vmem>>, vector<1x1x16xf32>,
          %swap3A_276 = vector.shape_cast %swap3A_275 : vector<1x1x16xf32> to vector<16xf32>
          %swap3A_277 = vector.shape_cast %get3A_271 : vector<16xf32> to vector<1x1x16xf32>
          tpu.vector_store %arg5[%swap3A_272, %swap3A_273, %swap3A_274], %swap3A_277 {add = true, strides = array<i32>} : memref<2x16x1024xf32, #tpu.memory_space<vmem>>, vector<1x1x16xf32>,
          %scan3A_278 = arith.constant 5 : i32
          %scan3A_279 = arith.addi %scan3A_196, %scan3A_278 : i32
          %mul3A_280 = arith.constant 16 : i32
          %mul3A_281 = arith.muli %scan3A_279, %mul3A_280 : i32
          %add3A_282 = arith.constant 0 : i32
          %add3A_283 = arith.addi %add3A_282, %mul3A_281 : i32
          %get3A_284 = arith.index_cast %rem3A_151 : i32 to index
          %get3A_285 = arith.index_cast %add3A_190 : i32 to index
          %get3A_286 = arith.index_cast %add3A_283 : i32 to index
          %get3A_287 = tpu.vector_load %arg6[%get3A_284, %get3A_285, %get3A_286] {strides = array<i32>} : memref<2x16x1024xf32, #tpu.memory_space<vmem>>, vector<1x1x16xf32>,
          %get3A_288 = vector.shape_cast %get3A_287 : vector<1x1x16xf32> to vector<16xf32>
          %swap3A_289 = arith.index_cast %rem3A_116 : i32 to index
          %swap3A_290 = arith.index_cast %add3A_190 : i32 to index
          %swap3A_291 = arith.index_cast %add3A_283 : i32 to index
          %swap3A_292 = tpu.vector_load %arg5[%swap3A_289, %swap3A_290, %swap3A_291] {strides = array<i32>} : memref<2x16x1024xf32, #tpu.memory_space<vmem>>, vector<1x1x16xf32>,
          %swap3A_293 = vector.shape_cast %swap3A_292 : vector<1x1x16xf32> to vector<16xf32>
          %swap3A_294 = vector.shape_cast %get3A_288 : vector<16xf32> to vector<1x1x16xf32>
          tpu.vector_store %arg5[%swap3A_289, %swap3A_290, %swap3A_291], %swap3A_294 {add = true, strides = array<i32>} : memref<2x16x1024xf32, #tpu.memory_space<vmem>>, vector<1x1x16xf32>,
          %scan3A_295 = arith.constant 6 : i32
          %scan3A_296 = arith.addi %scan3A_196, %scan3A_295 : i32
          %mul3A_297 = arith.constant 16 : i32
          %mul3A_298 = arith.muli %scan3A_296, %mul3A_297 : i32
          %add3A_299 = arith.constant 0 : i32
          %add3A_300 = arith.addi %add3A_299, %mul3A_298 : i32
          %get3A_301 = arith.index_cast %rem3A_151 : i32 to index
          %get3A_302 = arith.index_cast %add3A_190 : i32 to index
          %get3A_303 = arith.index_cast %add3A_300 : i32 to index
          %get3A_304 = tpu.vector_load %arg6[%get3A_301, %get3A_302, %get3A_303] {strides = array<i32>} : memref<2x16x1024xf32, #tpu.memory_space<vmem>>, vector<1x1x16xf32>,
          %get3A_305 = vector.shape_cast %get3A_304 : vector<1x1x16xf32> to vector<16xf32>
          %swap3A_306 = arith.index_cast %rem3A_116 : i32 to index
          %swap3A_307 = arith.index_cast %add3A_190 : i32 to index
          %swap3A_308 = arith.index_cast %add3A_300 : i32 to index
          %swap3A_309 = tpu.vector_load %arg5[%swap3A_306, %swap3A_307, %swap3A_308] {strides = array<i32>} : memref<2x16x1024xf32, #tpu.memory_space<vmem>>, vector<1x1x16xf32>,
          %swap3A_310 = vector.shape_cast %swap3A_309 : vector<1x1x16xf32> to vector<16xf32>
          %swap3A_311 = vector.shape_cast %get3A_305 : vector<16xf32> to vector<1x1x16xf32>
          tpu.vector_store %arg5[%swap3A_306, %swap3A_307, %swap3A_308], %swap3A_311 {add = true, strides = array<i32>} : memref<2x16x1024xf32, #tpu.memory_space<vmem>>, vector<1x1x16xf32>,
          %scan3A_312 = arith.constant 7 : i32
          %scan3A_313 = arith.addi %scan3A_196, %scan3A_312 : i32
          %mul3A_314 = arith.constant 16 : i32
          %mul3A_315 = arith.muli %scan3A_313, %mul3A_314 : i32
          %add3A_316 = arith.constant 0 : i32
          %add3A_317 = arith.addi %add3A_316, %mul3A_315 : i32
          %get3A_318 = arith.index_cast %rem3A_151 : i32 to index
          %get3A_319 = arith.index_cast %add3A_190 : i32 to index
          %get3A_320 = arith.index_cast %add3A_317 : i32 to index
          %get3A_321 = tpu.vector_load %arg6[%get3A_318, %get3A_319, %get3A_320] {strides = array<i32>} : memref<2x16x1024xf32, #tpu.memory_space<vmem>>, vector<1x1x16xf32>,
          %get3A_322 = vector.shape_cast %get3A_321 : vector<1x1x16xf32> to vector<16xf32>
          %swap3A_323 = arith.index_cast %rem3A_116 : i32 to index
          %swap3A_324 = arith.index_cast %add3A_190 : i32 to index
          %swap3A_325 = arith.index_cast %add3A_317 : i32 to index
          %swap3A_326 = tpu.vector_load %arg5[%swap3A_323, %swap3A_324, %swap3A_325] {strides = array<i32>} : memref<2x16x1024xf32, #tpu.memory_space<vmem>>, vector<1x1x16xf32>,
          %swap3A_327 = vector.shape_cast %swap3A_326 : vector<1x1x16xf32> to vector<16xf32>
          %swap3A_328 = vector.shape_cast %get3A_322 : vector<16xf32> to vector<1x1x16xf32>
          tpu.vector_store %arg5[%swap3A_323, %swap3A_324, %swap3A_325], %swap3A_328 {add = true, strides = array<i32>} : memref<2x16x1024xf32, #tpu.memory_space<vmem>>, vector<1x1x16xf32>,
        }
        %scan3A_195 = arith.constant 64 : i32
      }
      %scan3A_162 = arith.constant 16 : i32
      %div3A_163 = arith.constant 4 : i32
      %div3A_164 = arith.divsi %add3A_114, %div3A_163 : i32
      %rem3A_165 = arith.constant 4 : i32
      %rem3A_166 = arith.remsi %add3A_114, %rem3A_165 : i32
      %mul3A_167 = arith.constant 16 : i32
      %mul3A_168 = arith.muli %div3A_164, %mul3A_167 : i32
      %add3A_169 = arith.addi %mul3A_2, %mul3A_168 : i32
      %dma_start3A_170 = arith.constant 0 : i32
      %dma_start3A_171 = arith.constant 0 : i32
      %dma_start3A_172 = tpu.memref_slice %arg5[%rem3A_116, %dma_start3A_170, %dma_start3A_171] : memref<2x16x1024xf32, #tpu.memory_space<vmem>> -> memref<1x16x1024xf32, #tpu.memory_space<vmem>>
      %dma_start3A_173 = tpu.memref_squeeze %dma_start3A_172 : memref<1x16x1024xf32, #tpu.memory_space<vmem>> -> memref<16x1024xf32, #tpu.memory_space<vmem>>
      %dma_start3A_174 = arith.constant 0 : i32
      %dma_start3A_175 = tpu.memref_slice %arg4[%rem3A_166, %add3A_169, %dma_start3A_174] : memref<4x4096x1024xf32, #tpu.memory_space<hbm>> -> memref<1x16x1024xf32, #tpu.memory_space<hbm>>
      %dma_start3A_176 = tpu.memref_squeeze %dma_start3A_175 : memref<1x16x1024xf32, #tpu.memory_space<hbm>> -> memref<16x1024xf32, #tpu.memory_space<hbm>>
      %dma_start3A_177 = tpu.memref_slice %arg9[%rem3A_116] : memref<2x!tpu.dma_semaphore, #tpu.memory_space<semaphore_mem>> -> memref<1x!tpu.dma_semaphore, #tpu.memory_space<semaphore_mem>>
      %dma_start3A_178 = tpu.memref_squeeze %dma_start3A_177 : memref<1x!tpu.dma_semaphore, #tpu.memory_space<semaphore_mem>> -> memref<!tpu.dma_semaphore, #tpu.memory_space<semaphore_mem>>
      %dma_start3A_179 = arith.constant 0 : i32
      %dma_start3A_180 = tpu.memref_slice %arg4[%rem3A_166, %add3A_169, %dma_start3A_179] : memref<4x4096x1024xf32, #tpu.memory_space<hbm>> -> memref<1x16x1024xf32, #tpu.memory_space<hbm>>
      %dma_start3A_181 = tpu.memref_squeeze %dma_start3A_180 : memref<1x16x1024xf32, #tpu.memory_space<hbm>> -> memref<16x1024xf32, #tpu.memory_space<hbm>>
      %dma_start3A_182 = arith.constant 0 : i32
      %dma_start3A_183 = arith.constant 0 : i32
      %dma_start3A_184 = tpu.memref_slice %arg5[%rem3A_116, %dma_start3A_182, %dma_start3A_183] : memref<2x16x1024xf32, #tpu.memory_space<vmem>> -> memref<1x16x1024xf32, #tpu.memory_space<vmem>>
      %dma_start3A_185 = tpu.memref_squeeze %dma_start3A_184 : memref<1x16x1024xf32, #tpu.memory_space<vmem>> -> memref<16x1024xf32, #tpu.memory_space<vmem>>
      tpu.enqueue_dma source(%dma_start3A_185 : memref<16x1024xf32, #tpu.memory_space<vmem>>) target(%dma_start3A_181 : memref<16x1024xf32, #tpu.memory_space<hbm>>) target_semaphore(%dma_start3A_178 : memref<!tpu.dma_semaphore, #tpu.memory_space<semaphore_mem>>)
    }
    %scan3A_48 = arith.constant 32 : i32
    %rem3A_49 = arith.constant 30 : i32
    %rem3A_50 = arith.constant 2 : i32
    %rem3A_51 = arith.remsi %rem3A_49, %rem3A_50 : i32
    %div3A_52 = arith.constant 30 : i32
    %div3A_53 = arith.constant 4 : i32
    %div3A_54 = arith.divsi %div3A_52, %div3A_53 : i32
    %rem3A_55 = arith.constant 30 : i32
    %rem3A_56 = arith.constant 4 : i32
    %rem3A_57 = arith.remsi %rem3A_55, %rem3A_56 : i32
    %mul3A_58 = arith.constant 16 : i32
    %mul3A_59 = arith.muli %div3A_54, %mul3A_58 : i32
    %add3A_60 = arith.addi %mul3A_2, %mul3A_59 : i32
    %rem3A_61 = arith.constant 30 : i32
    %rem3A_62 = arith.constant 2 : i32
    %rem3A_63 = arith.remsi %rem3A_61, %rem3A_62 : i32
    %dma_wait3A = arith.constant 0 : i32
    %dma_wait3A_64 = arith.constant 0 : i32
    %dma_wait3A_65 = tpu.memref_slice %arg5[%rem3A_51, %dma_wait3A, %dma_wait3A_64] : memref<2x16x1024xf32, #tpu.memory_space<vmem>> -> memref<1x16x1024xf32, #tpu.memory_space<vmem>>
    %dma_wait3A_66 = tpu.memref_squeeze %dma_wait3A_65 : memref<1x16x1024xf32, #tpu.memory_space<vmem>> -> memref<16x1024xf32, #tpu.memory_space<vmem>>
    %dma_wait3A_67 = arith.constant 0 : i32
    %dma_wait3A_68 = tpu.memref_slice %arg4[%rem3A_57, %add3A_60, %dma_wait3A_67] : memref<4x4096x1024xf32, #tpu.memory_space<hbm>> -> memref<1x16x1024xf32, #tpu.memory_space<hbm>>
    %dma_wait3A_69 = tpu.memref_squeeze %dma_wait3A_68 : memref<1x16x1024xf32, #tpu.memory_space<hbm>> -> memref<16x1024xf32, #tpu.memory_space<hbm>>
    %dma_wait3A_70 = tpu.memref_slice %arg9[%rem3A_63] : memref<2x!tpu.dma_semaphore, #tpu.memory_space<semaphore_mem>> -> memref<1x!tpu.dma_semaphore, #tpu.memory_space<semaphore_mem>>
    %dma_wait3A_71 = tpu.memref_squeeze %dma_wait3A_70 : memref<1x!tpu.dma_semaphore, #tpu.memory_space<semaphore_mem>> -> memref<!tpu.dma_semaphore, #tpu.memory_space<semaphore_mem>>
    %dma_wait3A_72 = arith.constant 0 : i32
    %dma_wait3A_73 = tpu.memref_slice %arg4[%rem3A_57, %add3A_60, %dma_wait3A_72] : memref<4x4096x1024xf32, #tpu.memory_space<hbm>> -> memref<1x16x1024xf32, #tpu.memory_space<hbm>>
    %dma_wait3A_74 = tpu.memref_squeeze %dma_wait3A_73 : memref<1x16x1024xf32, #tpu.memory_space<hbm>> -> memref<16x1024xf32, #tpu.memory_space<hbm>>
    %dma_wait3A_75 = arith.constant 0 : i32
    %dma_wait3A_76 = arith.constant 0 : i32
    %dma_wait3A_77 = tpu.memref_slice %arg5[%rem3A_51, %dma_wait3A_75, %dma_wait3A_76] : memref<2x16x1024xf32, #tpu.memory_space<vmem>> -> memref<1x16x1024xf32, #tpu.memory_space<vmem>>
    %dma_wait3A_78 = tpu.memref_squeeze %dma_wait3A_77 : memref<1x16x1024xf32, #tpu.memory_space<vmem>> -> memref<16x1024xf32, #tpu.memory_space<vmem>>
    tpu.wait_dma2 semaphore(%dma_wait3A_71 : memref<!tpu.dma_semaphore, #tpu.memory_space<semaphore_mem>>) src(%dma_wait3A_78 : memref<16x1024xf32, #tpu.memory_space<vmem>>) dst(%dma_wait3A_74 : memref<16x1024xf32, #tpu.memory_space<hbm>>)
    %rem3A_79 = arith.constant 31 : i32
    %rem3A_80 = arith.constant 2 : i32
    %rem3A_81 = arith.remsi %rem3A_79, %rem3A_80 : i32
    %div3A_82 = arith.constant 31 : i32
    %div3A_83 = arith.constant 4 : i32
    %div3A_84 = arith.divsi %div3A_82, %div3A_83 : i32
    %rem3A_85 = arith.constant 31 : i32
    %rem3A_86 = arith.constant 4 : i32
    %rem3A_87 = arith.remsi %rem3A_85, %rem3A_86 : i32
    %mul3A_88 = arith.constant 16 : i32
    %mul3A_89 = arith.muli %div3A_84, %mul3A_88 : i32
    %add3A_90 = arith.addi %mul3A_2, %mul3A_89 : i32
    %rem3A_91 = arith.constant 31 : i32
    %rem3A_92 = arith.constant 2 : i32
    %rem3A_93 = arith.remsi %rem3A_91, %rem3A_92 : i32
    %dma_wait3A_94 = arith.constant 0 : i32
    %dma_wait3A_95 = arith.constant 0 : i32
    %dma_wait3A_96 = tpu.memref_slice %arg5[%rem3A_81, %dma_wait3A_94, %dma_wait3A_95] : memref<2x16x1024xf32, #tpu.memory_space<vmem>> -> memref<1x16x1024xf32, #tpu.memory_space<vmem>>
    %dma_wait3A_97 = tpu.memref_squeeze %dma_wait3A_96 : memref<1x16x1024xf32, #tpu.memory_space<vmem>> -> memref<16x1024xf32, #tpu.memory_space<vmem>>
    %dma_wait3A_98 = arith.constant 0 : i32
    %dma_wait3A_99 = tpu.memref_slice %arg4[%rem3A_87, %add3A_90, %dma_wait3A_98] : memref<4x4096x1024xf32, #tpu.memory_space<hbm>> -> memref<1x16x1024xf32, #tpu.memory_space<hbm>>
    %dma_wait3A_100 = tpu.memref_squeeze %dma_wait3A_99 : memref<1x16x1024xf32, #tpu.memory_space<hbm>> -> memref<16x1024xf32, #tpu.memory_space<hbm>>
    %dma_wait3A_101 = tpu.memref_slice %arg9[%rem3A_93] : memref<2x!tpu.dma_semaphore, #tpu.memory_space<semaphore_mem>> -> memref<1x!tpu.dma_semaphore, #tpu.memory_space<semaphore_mem>>
    %dma_wait3A_102 = tpu.memref_squeeze %dma_wait3A_101 : memref<1x!tpu.dma_semaphore, #tpu.memory_space<semaphore_mem>> -> memref<!tpu.dma_semaphore, #tpu.memory_space<semaphore_mem>>
    %dma_wait3A_103 = arith.constant 0 : i32
    %dma_wait3A_104 = tpu.memref_slice %arg4[%rem3A_87, %add3A_90, %dma_wait3A_103] : memref<4x4096x1024xf32, #tpu.memory_space<hbm>> -> memref<1x16x1024xf32, #tpu.memory_space<hbm>>
    %dma_wait3A_105 = tpu.memref_squeeze %dma_wait3A_104 : memref<1x16x1024xf32, #tpu.memory_space<hbm>> -> memref<16x1024xf32, #tpu.memory_space<hbm>>
    %dma_wait3A_106 = arith.constant 0 : i32
    %dma_wait3A_107 = arith.constant 0 : i32
    %dma_wait3A_108 = tpu.memref_slice %arg5[%rem3A_81, %dma_wait3A_106, %dma_wait3A_107] : memref<2x16x1024xf32, #tpu.memory_space<vmem>> -> memref<1x16x1024xf32, #tpu.memory_space<vmem>>
    %dma_wait3A_109 = tpu.memref_squeeze %dma_wait3A_108 : memref<1x16x1024xf32, #tpu.memory_space<vmem>> -> memref<16x1024xf32, #tpu.memory_space<vmem>>
    tpu.wait_dma2 semaphore(%dma_wait3A_102 : memref<!tpu.dma_semaphore, #tpu.memory_space<semaphore_mem>>) src(%dma_wait3A_109 : memref<16x1024xf32, #tpu.memory_space<vmem>>) dst(%dma_wait3A_105 : memref<16x1024xf32, #tpu.memory_space<hbm>>)
    return
  }
}

</mosaic_0001>

<sc_bundles>
// kernel: kernel.3.cloned.1.call-start
scs
__scs_entry_jumppad:
0x0: {  	(pc) =	sbr.rel $0x88, $3  }
0x1: {  	(tag) =	ssettag $0x0;
	lr =	simm.s32 $0x1  }
0x2: {  	[smem:$0x3F9F] =	sst lr;
	_ =	strace $0xD0000000  }
0x3: {  	_ = 	snop  }
0x4: {  	_ = 	snop  }
0x5: {  	_ = 	snop  }
0x6: {  	_ = 	snop  }
0x7: {  	_ = 	snop  }
__scs_overlays_trampoline_lowered:
0x8: {  	[smem:$0x3FAE] =	sst s0  }
0x9: {  	[smem:$0x3FAF] =	sst s1  }
0xa: {  	[smem:$0x3FB0] =	sst s2  }
0xb: {  	[smem:$0x3FB1] =	sst s3  }
0xc: {  	[smem:$0x3FB2] =	sst s4  }
0xd: {  	[smem:$0x3FB3] =	sst s5  }
0xe: {  	[smem:$0x3FB4] =	sst s6  }
0xf: {  	[smem:$0x3FB5] =	sst s7  }
0x10: {  	[smem:$0x3FB6] =	sst s8  }
0x11: {  	[smem:$0x3FB7] =	sst s9;
	s0 =	simm.s32 @!p0 $0x0  }
0x12: {  	s1 =	sld [smem:$0x3F9D];
	s0 =	simm.s32 @p0 $0x1  }
0x13: {  	[smem:$0x3FB8] =	sst s0;
	s0 =	simm.s32 @!p1 $0x0  }
0x14: {  	s2 =	sld [smem:$0x3F9C];
	s0 =	simm.s32 @p1 $0x1  }
0x15: {  	[smem:$0x3FB9] =	sst s0;
	s0 =	simm.s32 @!p2 $0x0  }
0x16: {  	s3 =	sld [smem:$0x3FDB];
	s0 =	simm.s32 @p2 $0x1  }
0x17: {  	s4 =	simm.s32 $0x1BF5;
	[smem:$0x3FBB] =	sst s0  }
0x18: {  	s0 =	sld [smem:$0x3F9E];
	_ =	swait.ge [sflag:s4], $0x0  }
0x19: {  	s7 =	sld [smem:$0x3F9F]  }
0x1a: {  	s8 =	sadd.s32 $0xFFFFE003, lr  }
0x1b: {  	s9 =	sadd.s32 $0xFFFFFEF7, lr;
	s5 =	simm.s32 $0xFFFFFFFF;
	p2 =	slt.u32 s8, $0xFFFFF086  }
0x1c: {  	p1 =	slt.u32 s9, $0xF7A;
	s5 =	simm.s32 @!p2 $0x0  }
0x1d: {  	s5 =	simm.s32 @p1 $0x1;
	p0 =	seq.s32 s7, s2  }
0x1e: {  	s7 =	smul.u32 @!p0 $0xF7A, s2;
	p2 =	seq.s32 @!p0 s5, $0x0  }
0x1f: {  	s9 =	smul.u32 $0xF7A, s1;
	s8 =	simm.s32 @!p0 $0x1BF5;
	p2 =	por !p2, p0  }
0x20: {  	[sflag:s8] =	ssyncset.s32 @!p0 $0xFFFFF086;
	s6 =	sadd.s32 @!p0 s3, s7;
	s7 =	simm.s32 @!p0 $0x108  }
0x21: {  	s3 =	sadd.s32 s3, s9;
	s6 =	sadd.s32 @!p0 $0x88, s6;
	s7 =	simm.s32 @p2 $0x1082  }
0x22: {  	[simem:s7], [sflag:s8] =	dma.local @!p0 [hbm:s6], $0xF7A  }
0x23: {  	s9 =	sor.u32 $0xD0000000, s2;
	s6 =	simm.s32 $0x108;
	_ =	swait.ge @!p0 [sflag:s8], $0x0  }
0x24: {  	s3 =	sadd.s32 $0x88, s3;
	s6 =	simm.s32 @!p1 $0x1082;
	[sflag:s4] =	ssyncset.s32 $0xFFFFF086  }
0x25: {  	[simem:s6], [sflag:s4] =	dma.local [hbm:s3], $0xF7A  }
0x26: {  	[smem:$0x3F9F] =	sst s1;
	(tag) =	ssettag s2;
	_ =	strace s9  }
0x27: {  	s1 =	sld [smem:$0x3FAF]  }
0x28: {  	s2 =	sld [smem:$0x3FB0]  }
0x29: {  	s4 =	sld [smem:$0x3FB2]  }
0x2a: {  	p0 =	seq.s32 s5, $0x0;
	s5 =	sld [smem:$0x3FB3]  }
0x2b: {  	s6 =	sld [smem:$0x3FB4]  }
0x2c: {  	s7 =	sld [smem:$0x3FB5]  }
0x2d: {  	s3 =	simm.s32 $0x108;
	s8 =	sld [smem:$0x3FB6]  }
0x2e: {  	s3 =	simm.s32 @!p0 $0x1082;
	s9 =	sld [smem:$0x3FB7]  }
0x2f: {  	lr =	sadd.s32 s0, s3;
	s0 =	sld [smem:$0x3FAE]  }
0x30: {  	s3 =	sld [smem:$0x3FB1]  }
0x31: {  	[smem:$0x3FBA] =	sst s10  }
0x32: {  	s10 =	sld [smem:$0x3FB8];
	_ =	sdelay $0x3  }
0x33: {  	p0 =	seq.s32 s10, $0x1;
	s10 =	sld [smem:$0x3FBA];
	_ =	sdelay $0x3  }
0x34: {  	[smem:$0x3FBA] =	sst s10  }
0x35: {  	s10 =	sld [smem:$0x3FB9];
	_ =	sdelay $0x3  }
0x36: {  	p1 =	seq.s32 s10, $0x1;
	s10 =	sld [smem:$0x3FBA];
	_ =	sdelay $0x3  }
0x37: {  	[smem:$0x3FBA] =	sst s10  }
0x38: {  	s10 =	sld [smem:$0x3FBB]  }
0x39: {  	_ = 	snop;
	(pc) =	sbr.ind lr, $3  }
0x3a: {  	_ = 	snop  }
0x3b: {  	_ = 	snop  }
0x3c: {  	p2 =	seq.s32 s10, $0x1;
	s10 =	sld [smem:$0x3FBA]  }
0x3d: {  	_ =	shalt  }
0x3e: {  	_ =	shalt  }
0x3f: {  	_ =	shalt  }
0x40: {  	_ =	shalt  }
0x41: {  	_ =	shalt  }
0x42: {  	_ =	shalt  }
0x43: {  	_ =	shalt  }
0x44: {  	_ =	shalt  }
0x45: {  	_ =	shalt  }
0x46: {  	_ =	shalt  }
0x47: {  	_ =	shalt  }
0x48: {  	_ =	shalt  }
0x49: {  	_ =	shalt  }
0x4a: {  	_ =	shalt  }
0x4b: {  	_ =	shalt  }
0x4c: {  	_ =	shalt  }
0x4d: {  	_ =	shalt  }
0x4e: {  	_ =	shalt  }
0x4f: {  	_ =	shalt  }
0x50: {  	_ =	shalt  }
0x51: {  	_ =	shalt  }
0x52: {  	_ =	shalt  }
0x53: {  	_ =	shalt  }
0x54: {  	_ =	shalt  }
0x55: {  	_ =	shalt  }
0x56: {  	_ =	shalt  }
0x57: {  	_ =	shalt  }
0x58: {  	_ =	shalt  }
0x59: {  	_ =	shalt  }
0x5a: {  	_ =	shalt  }
0x5b: {  	_ =	shalt  }
0x5c: {  	_ =	shalt  }
0x5d: {  	_ =	shalt  }
0x5e: {  	_ =	shalt  }
0x5f: {  	_ =	shalt  }
0x60: {  	_ =	shalt  }
0x61: {  	_ =	shalt  }
0x62: {  	_ =	shalt  }
0x63: {  	_ =	shalt  }
0x64: {  	_ =	shalt  }
0x65: {  	_ =	shalt  }
0x66: {  	_ =	shalt  }
0x67: {  	_ =	shalt  }
0x68: {  	_ =	shalt  }
0x69: {  	_ =	shalt  }
0x6a: {  	_ =	shalt  }
0x6b: {  	_ =	shalt  }
0x6c: {  	_ =	shalt  }
0x6d: {  	_ =	shalt  }
0x6e: {  	_ =	shalt  }
0x6f: {  	_ =	shalt  }
0x70: {  	_ =	shalt  }
0x71: {  	_ =	shalt  }
0x72: {  	_ =	shalt  }
0x73: {  	_ =	shalt  }
0x74: {  	_ =	shalt  }
0x75: {  	_ =	shalt  }
0x76: {  	_ =	shalt  }
0x77: {  	_ =	shalt  }
0x78: {  	_ =	shalt  }
0x79: {  	_ =	shalt  }
0x7a: {  	_ =	shalt  }
0x7b: {  	_ =	shalt  }
0x7c: {  	_ =	shalt  }
0x7d: {  	_ =	shalt  }
0x7e: {  	_ =	shalt  }
0x7f: {  	_ =	shalt  }
0x80: {  	_ =	shalt  }
0x81: {  	_ =	shalt  }
0x82: {  	_ =	shalt  }
0x83: {  	_ =	shalt  }
0x84: {  	_ =	shalt  }
0x85: {  	_ =	shalt  }
0x86: {  	_ =	shalt  }
0x87: {  	_ =	shalt  }
.Lfunc_end0:
.L_simem_size_0:
called_computation_lowered:
.L_overlay_start_0:
0x88: {  	s2 =	sld [smem:$0x3FD9]  }
0x89: {  	s3 =	sld [smem:$0x3FFE];
	_ =	sdelay $0x1  }
0x8a: {  	s1 =	srdreg.scid  }
0x8b: {  	s0 =	sand.u32 $0x1, s1  }
0x8c: {  	s18 =	sshll.u32 s0, $0xA;
	s2 =	sadd.s32 s3, s2  }
0x8d: {  	s2 =	sadd.s32 s2, s18  }
0x8e: {  	[smem:$0x3FC6] =	sst s2  }
0x8f: {  	_ = 	snop  }
0x90: {  	s2 =	sld [smem:$0x3FC9]  }
0x91: {  	s19 =	sld [smem:$0x3FC8]  }
0x92: {  	s4 =	sld [smem:$0x3FD0];
	(tm) =	ssettm $0x1  }
0x93: {  	s5 =	sld [smem:$0x3FFB];
	_ =	sdelay $0x3  }
0x94: {  	_ =	strace s5  }
0x95: {  	s5 =	sld [smem:$0x3FFC];
	_ =	sdelay $0x3  }
0x96: {  	_ =	strace s5  }
0x97: {  	s5 =	sld [smem:$0x3FFD];
	_ =	sdelay $0x3  }
0x98: {  	_ =	strace s5  }
0x99: {  	_ =	strace $0x8FFFFFFF  }
0x9a: {  	s20 =	sld [smem:$0x3FDB];
	_ =	sdelay $0x1  }
0x9b: {  	s6 =	simm.s32 $_scs_section_size  }
0x9c: {  	s7 =	simm.s32 $_size__tile_overlayer_lowered;
	s8 =	simm.s32 $_tile_overlayer_lowered  }
0x9d: {  	s23 =	simm.s32 $0x1BFF;
	s22 =	sshll.u32 s8, $0x1;
	s5 =	sadd.s32 s6, s20  }
0x9e: {  	s9 =	simm.s32 $0x0;
	s21 =	sshll.u32 s7, $0x1;
	s7 =	sadd.s32 s22, s5  }
0x9f: {  	[timem:s9], [sflag:s23] =	dma.local [hbm:s7], s21  }
0xa0: {  	_ =	swait.ge [sflag:s23], s21  }
0xa1: {  	s6 =	ssub.s32 $0x0, s21;
	[sflag:s23] =	ssyncset.done $0x0  }
0xa2: {  	[sflag:s23] =	ssyncadd.s32 s6;
	_ =	sdelay $0x1  }
0xa3: {  	s24 =	simm.s32 $0x1B8B  }
0xa4: {  	_ =	swait.ge [sflag:s24], $0x1  }
0xa5: {  	[sflag:s24] =	ssyncset.done $0x0  }
0xa6: {  	s25 =	simm.s32 $0x1B8E;
	[sflag:s24] =	ssyncadd.s32 $0xFFFFFFFF  }
0xa7: {  	s26 =	simm.s32 $execute0_lowered;
	[smem:$0x3FD2] =	sst s25  }
0xa8: {  	s6 =	sshll.u32 s26, $0x1;
	_ =	strace $0x80000046;
	[dreg:$0x1] =	wrdreg $0xFFFFFFFF  }
0xa9: {  	s28 =	simm.s32 $_size_execute0_lowered;
	s5 =	sadd.s32 s5, s6;
	[dreg:$0x0] =	wrdreg $0x0  }
0xaa: {  	s6 =	sshll.u32 s28, $0x1;
	[dreg:$0x2] =	wrdreg s5  }
0xab: {  	[dreg:$0x3] =	wrdreg s6  }
0xac: {  	[dreg:$0x4] =	wrdreg $0xC0  }
0xad: {  	_ =	task [dreg:s9], $0x5FFFF  }
0xae: {  	[dreg:$0x1] =	wrdreg $0xFFFFFFFF  }
0xaf: {  	[dreg:$0x0] =	wrdreg $0x60  }
0xb0: {  	[dreg:$0x2] =	wrdreg s2  }
0xb1: {  	[dreg:$0x3] =	wrdreg s19  }
0xb2: {  	[dreg:$0x4] =	wrdreg s4  }
0xb3: {  	[dreg:$0x5] =	wrdreg $0x9  }
0xb4: {  	_ =	task.clear_ibuf [dreg:s9], $0x6FFFF;
	_ =	strace $0x90000046  }
0xb5: {  	s29 =	simm.s32 $0x9;
	_ =	strace $0x80000048  }
0xb6: {  	_ =	swait.ge [sflag:s29], $0x1  }
0xb7: {  	[sflag:s29] =	ssyncadd.s32 $0xFFFFFFFF  }
0xb8: {  	_ =	strace $0x90000048  }
0xb9: {  	_ =	sfence  }
0xba: {  	s30 =	sld [smem:$0x0];
	_ =	sdelay $0x2  }
0xbb: {  	s31 =	sshll.u32 s1, $0xD;
	s1 =	sshrl.u32 s1, $0x2  }
0xbc: {  	s3 =	sand.u32 $0x4000, s31;
	s1 =	sadd.s32 s1, s30  }
0xbd: {  	s0 =	sor.u32 s3, s0;
	s1 =	sshll.u32 s1, $0x11  }
0xbe: {  	s0 =	sor.u32 s1, s0  }
0xbf: {  	s0 =	sadd.s32 $0x8F2B, s0  }
0xc0: {  	[sflag:s0] =	ssyncadd.remote.s32 $0x1  }
0xc1: {  	_ =	sfence.sel $0xFFFF  }
0xc2: {  	[dreg:$0x0] =	wrdreg $0xFFFFFFFF;
	(pc) =	sbr.abs _section_cstart, $3  }
0xc3: {  	[dreg:$0x1] =	wrdreg $0xFFFFFFFF  }
0xc4: {  	_ =	task.clear_ibuf [dreg:s9], $0x2FFFF;
	_ =	strace $0x9FFFFFFF  }
0xc5: {  	(tm) =	ssettm $0x7FFFFFFF  }
tec
execute0_lowered:
.L_overlay_start_1:
0x0: {  	(tag) =	ssettag $0x1  }
0x1: {  	s1 =	rddreg [dreg:$0x0]  }
0x2: {  	s2 =	rddreg [dreg:$0x1]  }
0x3: {  	s8 =	rddreg [dreg:$0x2]  }
0x4: {  	s0 =	rddreg [dreg:$0x3];
	s5 =	srdreg.scid  }
0x5: {  	s4 =	simm.s32 $0x0;
	s3 =	stileid.u32;
	s11 =	simm.s32 $0x5  }
0x6: {  	s12 =	simm.s32 $0x6;
	s13 =	simm.s32 $0x0;
	s5 =	sand.u32 $0x1, s5  }
0x7: {  	s7 =	sshll.u32 s3, $0x7;
	s6 =	ssub.s32 $0x2, s5;
	s5 =	sshll.u32 s5, $0xB  }
0x8: {  	[smem:$0x7FF] =	sst s4;
	s9 =	sshrl.u32 s6, $0x1;
	s7 =	sor.u32 s7, s5  }
0x9: {  	_ =	strace $0x80000047;
	s9 =	ssub.s32 s6, s9;
	s10 =	sshll.u32 s7, $0x7  }
0xa: {  	s7 =	sshll.u32 s7, $0xA;
	s5 =	sadd.s32 s2, s10;
	s6 =	sadd.s32 s1, s10  }
0xb: {  	s8 =	sadd.s32 s8, s10;
	s9 =	smax.u32 s9, $0x1;
	s10 =	simm.s32 $0x8000  }
.LBB2_1:
0xc: {  	[tilespmem:s10], [sflag:$0x3] =	stream.linear.gather [hbm4b:s5+s4], $0x4000, $0x38;
	[tilespmem:$0x10000] =	vst v63  }
0xd: {  	s17 =	simm.s32 $0x0  }
0xe: {  	[tilespmem:s4], [sflag:$0x1] =	stream.linear.gather [hbm4b:s6+s4], $0x4000, $0x38;
	[tilespmem:$0x10000] =	vst v63  }
.LBB2_2:
0xf: {  	p0 =	seq.s32 s17, $0x0  }
.Ltmp0:
0x10: {  	_ = 	snop;
	(pc) =	sbr.rel @p0 .LBB2_5-.Ltmp0, $3  }
0x11: {  	_ =	sdelay $0x1  }
0x12: {  	s14 =	sadd.s32 $0x1, s17  }
0x13: {  	s15 =	sand.u32 $0x1, s14  }
0x14: {  	p0 =	seq.s32 s17, $0x1F  }
.Ltmp1:
0x15: {  	_ = 	snop;
	(pc) =	sbr.rel @p0 .LBB2_6-.Ltmp1, $1  }
0x16: {  	_ =	sdelay $0x3  }
0x17: {  	s16 =	sadd.s32 $0x5, s15  }
0x18: {  	_ =	swait.ge [sflag:s16], $0x4000  }
0x19: {  	[sflag:s16] =	ssyncset.done $0x0  }
0x1a: {  	[sflag:s16] =	ssyncadd.s32 $0xFFFFC000  }
.LBB2_5:
0x1b: {  	s16 =	sshrl.u32 s14, $0x2  }
0x1c: {  	s19 =	sand.u32 $0x3, s14;
	s18 =	sshll.u32 s16, $0xE  }
0x1d: {  	s21 =	sshll.u32 s15, $0xE;
	s20 =	sshll.u32 s19, $0x16;
	s18 =	sadd.s32 s7, s18  }
0x1e: {  	s31 =	sadd.s32 $0x1, s15;
	p0 =	sne.s32 s19, $0x0;
	s20 =	sadd.s32 s20, s18  }
0x1f: {  	s15 =	sand.u32 @!p0 $0x1, s16;
	s19 =	simm.s32 @!p0 $0x0;
	s20 =	sshrl.u32 s20, $0x3  }
0x20: {  	s16 =	sshll.u32 @!p0 s15, $0xE;
	s18 =	sshrl.u32 @!p0 s18, $0x3;
	s20 =	sadd.s32 s1, s20  }
0x21: {  	[tilespmem:s21], [sflag:s31] =	stream.linear.gather [hbm4b:s20+s4], $0x4000, $0x38;
	[tilespmem:$0x10000] =	vst v63  }
0x22: {  	s15 =	sadd.s32 @!p0 $0x3, s15;
	s16 =	sor.u32 @!p0 $0x8000, s16;
	s18 =	sadd.s32 @!p0 s2, s18  }
0x23: {  	[tilespmem:s16], [sflag:s15] =	stream.linear.gather @!p0 [hbm4b:s18+s19], $0x4000, $0x38;
	[tilespmem:$0x10000] =	vst v63  }
.LBB2_6:
0x24: {  	s15 =	sand.u32 $0x1, s17  }
0x25: {  	s18 =	sadd.s32 $0x1, s15  }
0x26: {  	_ =	swait.ge [sflag:s18], $0x4000  }
0x27: {  	s16 =	sshrl.u32 s17, $0x2;
	s17 =	sand.u32 $0x3, s17;
	[sflag:s18] =	ssyncset.done $0x0  }
0x28: {  	p0 =	sne.s32 s17, $0x0;
	[sflag:s18] =	ssyncadd.s32 $0xFFFFC000;
	s18 =	sand.u32 $0x1, s16  }
0x29: {  	s21 =	simm.s32 $0x0;
	s20 =	sadd.s32 @!p0 $0x3, s18;
	s18 =	sshll.u32 s18, $0xE  }
0x2a: {  	s22 =	sand.u32 $0x2000, s21;
	_ =	swait.ge @!p0 [sflag:s20], $0x4000;
	s19 =	sor.u32 $0x8000, s18  }
0x2b: {  	s23 =	sand.u32 $0x380, s21;
	[sflag:s20] =	ssyncset.done @!p0 $0x0;
	s18 =	sadd.s32 s22, s19  }
0x2c: {  	[sflag:s20] =	ssyncadd.s32 @!p0 $0xFFFFC000;
	s21 =	sadd.s32 s23, s18  }
0x2d: {  	v0 =	vld [tilespmem:s21+$0x0];
	_ =	sdelay $0x1  }
0x2e: {  	s18 =	sshll.u32 s15, $0xE  }
0x2f: {  	s30 =	sadd.s32 s22, s18  }
0x30: {  	s20 =	sadd.s32 s23, s30  }
0x31: {  	[tilespmem:s20+$0x0] =	vst.add.f32.msk $0xffff, v0  }
0x32: {  	v0 =	vld [tilespmem:s21+$0x10];
	_ =	sdelay $0x4  }
0x33: {  	[tilespmem:s20+$0x10] =	vst.add.f32.msk $0xffff, v0  }
0x34: {  	v0 =	vld [tilespmem:s21+$0x20];
	_ =	sdelay $0x4  }
0x35: {  	[tilespmem:s20+$0x20] =	vst.add.f32.msk $0xffff, v0  }
0x36: {  	v0 =	vld [tilespmem:s21+$0x30];
	_ =	sdelay $0x4  }
0x37: {  	[tilespmem:s20+$0x30] =	vst.add.f32.msk $0xffff, v0  }
0x38: {  	v0 =	vld [tilespmem:s21+$0x40];
	_ =	sdelay $0x4  }
0x39: {  	[tilespmem:s20+$0x40] =	vst.add.f32.msk $0xffff, v0  }
0x3a: {  	v0 =	vld [tilespmem:s21+$0x50];
	_ =	sdelay $0x4  }
0x3b: {  	[tilespmem:s20+$0x50] =	vst.add.f32.msk $0xffff, v0  }
0x3c: {  	v0 =	vld [tilespmem:s21+$0x60];
	_ =	sdelay $0x4  }
0x3d: {  	[tilespmem:s20+$0x60] =	vst.add.f32.msk $0xffff, v0  }
0x3e: {  	v0 =	vld [tilespmem:s21+$0x70];
	_ =	sdelay $0x4  }
0x3f: {  	[tilespmem:s20+$0x70] =	vst.add.f32.msk $0xffff, v0  }
0x40: {  	v0 =	vld [tilespmem:s21+$0x400];
	_ =	sdelay $0x4  }
0x41: {  	[tilespmem:s20+$0x400] =	vst.add.f32.msk $0xffff, v0  }
0x42: {  	v0 =	vld [tilespmem:s21+$0x410];
	_ =	sdelay $0x4  }
0x43: {  	[tilespmem:s20+$0x410] =	vst.add.f32.msk $0xffff, v0  }
0x44: {  	v0 =	vld [tilespmem:s21+$0x420];
	_ =	sdelay $0x4  }
0x45: {  	[tilespmem:s20+$0x420] =	vst.add.f32.msk $0xffff, v0  }
0x46: {  	v0 =	vld [tilespmem:s21+$0x430];
	_ =	sdelay $0x4  }
0x47: {  	[tilespmem:s20+$0x430] =	vst.add.f32.msk $0xffff, v0  }
0x48: {  	v0 =	vld [tilespmem:s21+$0x440];
	_ =	sdelay $0x4  }
0x49: {  	[tilespmem:s20+$0x440] =	vst.add.f32.msk $0xffff, v0  }
0x4a: {  	v0 =	vld [tilespmem:s21+$0x450];
	_ =	sdelay $0x4  }
0x4b: {  	[tilespmem:s20+$0x450] =	vst.add.f32.msk $0xffff, v0  }
0x4c: {  	v0 =	vld [tilespmem:s21+$0x460];
	_ =	sdelay $0x4  }
0x4d: {  	[tilespmem:s20+$0x460] =	vst.add.f32.msk $0xffff, v0  }
0x4e: {  	v0 =	vld [tilespmem:s21+$0x470];
	_ =	sdelay $0x4  }
0x4f: {  	[tilespmem:s20+$0x470] =	vst.add.f32.msk $0xffff, v0  }
0x50: {  	v0 =	vld [tilespmem:s21+$0x800];
	_ =	sdelay $0x4  }
0x51: {  	[tilespmem:s20+$0x800] =	vst.add.f32.msk $0xffff, v0  }
0x52: {  	v0 =	vld [tilespmem:s21+$0x810];
	_ =	sdelay $0x4  }
0x53: {  	[tilespmem:s20+$0x810] =	vst.add.f32.msk $0xffff, v0  }
0x54: {  	v0 =	vld [tilespmem:s21+$0x820];
	_ =	sdelay $0x4  }
0x55: {  	[tilespmem:s20+$0x820] =	vst.add.f32.msk $0xffff, v0  }
0x56: {  	v0 =	vld [tilespmem:s21+$0x830];
	_ =	sdelay $0x4  }
0x57: {  	[tilespmem:s20+$0x830] =	vst.add.f32.msk $0xffff, v0  }
0x58: {  	v0 =	vld [tilespmem:s21+$0x840];
	_ =	sdelay $0x4  }
0x59: {  	[tilespmem:s20+$0x840] =	vst.add.f32.msk $0xffff, v0  }
0x5a: {  	v0 =	vld [tilespmem:s21+$0x850];
	_ =	sdelay $0x4  }
0x5b: {  	[tilespmem:s20+$0x850] =	vst.add.f32.msk $0xffff, v0  }
0x5c: {  	v0 =	vld [tilespmem:s21+$0x860];
	_ =	sdelay $0x4  }
0x5d: {  	[tilespmem:s20+$0x860] =	vst.add.f32.msk $0xffff, v0  }
0x5e: {  	v0 =	vld [tilespmem:s21+$0x870];
	_ =	sdelay $0x4  }
0x5f: {  	[tilespmem:s20+$0x870] =	vst.add.f32.msk $0xffff, v0  }
0x60: {  	v0 =	vld [tilespmem:s21+$0xC00];
	_ =	sdelay $0x4  }
0x61: {  	[tilespmem:s20+$0xC00] =	vst.add.f32.msk $0xffff, v0  }
0x62: {  	v0 =	vld [tilespmem:s21+$0xC10];
	_ =	sdelay $0x4  }
0x63: {  	[tilespmem:s20+$0xC10] =	vst.add.f32.msk $0xffff, v0  }
0x64: {  	v0 =	vld [tilespmem:s21+$0xC20];
	_ =	sdelay $0x4  }
0x65: {  	[tilespmem:s20+$0xC20] =	vst.add.f32.msk $0xffff, v0  }
0x66: {  	v0 =	vld [tilespmem:s21+$0xC30];
	_ =	sdelay $0x4  }
0x67: {  	[tilespmem:s20+$0xC30] =	vst.add.f32.msk $0xffff, v0  }
0x68: {  	v0 =	vld [tilespmem:s21+$0xC40];
	_ =	sdelay $0x4  }
0x69: {  	[tilespmem:s20+$0xC40] =	vst.add.f32.msk $0xffff, v0  }
0x6a: {  	v0 =	vld [tilespmem:s21+$0xC50];
	_ =	sdelay $0x4  }
0x6b: {  	[tilespmem:s20+$0xC50] =	vst.add.f32.msk $0xffff, v0  }
0x6c: {  	v0 =	vld [tilespmem:s21+$0xC60];
	_ =	sdelay $0x4  }
0x6d: {  	[tilespmem:s20+$0xC60] =	vst.add.f32.msk $0xffff, v0  }
0x6e: {  	v0 =	vld [tilespmem:s21+$0xC70];
	_ =	sdelay $0x4  }
0x6f: {  	[tilespmem:s20+$0xC70] =	vst.add.f32.msk $0xffff, v0  }
0x70: {  	v0 =	vld [tilespmem:s21+$0x1000];
	_ =	sdelay $0x4  }
0x71: {  	[tilespmem:s20+$0x1000] =	vst.add.f32.msk $0xffff, v0  }
0x72: {  	v0 =	vld [tilespmem:s21+$0x1010];
	_ =	sdelay $0x4  }
0x73: {  	[tilespmem:s20+$0x1010] =	vst.add.f32.msk $0xffff, v0  }
0x74: {  	v0 =	vld [tilespmem:s21+$0x1020];
	_ =	sdelay $0x4  }
0x75: {  	[tilespmem:s20+$0x1020] =	vst.add.f32.msk $0xffff, v0  }
0x76: {  	v0 =	vld [tilespmem:s21+$0x1030];
	_ =	sdelay $0x4  }
0x77: {  	[tilespmem:s20+$0x1030] =	vst.add.f32.msk $0xffff, v0  }
0x78: {  	v0 =	vld [tilespmem:s21+$0x1040];
	_ =	sdelay $0x4  }
0x79: {  	[tilespmem:s20+$0x1040] =	vst.add.f32.msk $0xffff, v0  }
0x7a: {  	v0 =	vld [tilespmem:s21+$0x1050];
	_ =	sdelay $0x4  }
0x7b: {  	[tilespmem:s20+$0x1050] =	vst.add.f32.msk $0xffff, v0  }
0x7c: {  	v0 =	vld [tilespmem:s21+$0x1060];
	_ =	sdelay $0x4  }
0x7d: {  	[tilespmem:s20+$0x1060] =	vst.add.f32.msk $0xffff, v0  }
0x7e: {  	v0 =	vld [tilespmem:s21+$0x1070];
	_ =	sdelay $0x4  }
0x7f: {  	[tilespmem:s20+$0x1070] =	vst.add.f32.msk $0xffff, v0  }
0x80: {  	v0 =	vld [tilespmem:s21+$0x1400];
	_ =	sdelay $0x4  }
0x81: {  	[tilespmem:s20+$0x1400] =	vst.add.f32.msk $0xffff, v0  }
0x82: {  	v0 =	vld [tilespmem:s21+$0x1410];
	_ =	sdelay $0x4  }
0x83: {  	[tilespmem:s20+$0x1410] =	vst.add.f32.msk $0xffff, v0  }
0x84: {  	v0 =	vld [tilespmem:s21+$0x1420];
	_ =	sdelay $0x4  }
0x85: {  	[tilespmem:s20+$0x1420] =	vst.add.f32.msk $0xffff, v0  }
0x86: {  	v0 =	vld [tilespmem:s21+$0x1430];
	_ =	sdelay $0x4  }
0x87: {  	[tilespmem:s20+$0x1430] =	vst.add.f32.msk $0xffff, v0  }
0x88: {  	v0 =	vld [tilespmem:s21+$0x1440];
	_ =	sdelay $0x4  }
0x89: {  	[tilespmem:s20+$0x1440] =	vst.add.f32.msk $0xffff, v0  }
0x8a: {  	v0 =	vld [tilespmem:s21+$0x1450];
	_ =	sdelay $0x4  }
0x8b: {  	[tilespmem:s20+$0x1450] =	vst.add.f32.msk $0xffff, v0  }
0x8c: {  	v0 =	vld [tilespmem:s21+$0x1460];
	_ =	sdelay $0x4  }
0x8d: {  	[tilespmem:s20+$0x1460] =	vst.add.f32.msk $0xffff, v0  }
0x8e: {  	v0 =	vld [tilespmem:s21+$0x1470];
	_ =	sdelay $0x4  }
0x8f: {  	[tilespmem:s20+$0x1470] =	vst.add.f32.msk $0xffff, v0  }
0x90: {  	v0 =	vld [tilespmem:s21+$0x1800];
	_ =	sdelay $0x4  }
0x91: {  	[tilespmem:s20+$0x1800] =	vst.add.f32.msk $0xffff, v0  }
0x92: {  	v0 =	vld [tilespmem:s21+$0x1810];
	_ =	sdelay $0x4  }
0x93: {  	[tilespmem:s20+$0x1810] =	vst.add.f32.msk $0xffff, v0  }
0x94: {  	v0 =	vld [tilespmem:s21+$0x1820];
	_ =	sdelay $0x4  }
0x95: {  	[tilespmem:s20+$0x1820] =	vst.add.f32.msk $0xffff, v0  }
0x96: {  	v0 =	vld [tilespmem:s21+$0x1830];
	_ =	sdelay $0x4  }
0x97: {  	[tilespmem:s20+$0x1830] =	vst.add.f32.msk $0xffff, v0  }
0x98: {  	v0 =	vld [tilespmem:s21+$0x1840];
	_ =	sdelay $0x4  }
0x99: {  	[tilespmem:s20+$0x1840] =	vst.add.f32.msk $0xffff, v0  }
0x9a: {  	v0 =	vld [tilespmem:s21+$0x1850];
	_ =	sdelay $0x4  }
0x9b: {  	[tilespmem:s20+$0x1850] =	vst.add.f32.msk $0xffff, v0  }
0x9c: {  	v0 =	vld [tilespmem:s21+$0x1860];
	_ =	sdelay $0x4  }
0x9d: {  	[tilespmem:s20+$0x1860] =	vst.add.f32.msk $0xffff, v0  }
0x9e: {  	v0 =	vld [tilespmem:s21+$0x1870];
	_ =	sdelay $0x4  }
0x9f: {  	[tilespmem:s20+$0x1870] =	vst.add.f32.msk $0xffff, v0  }
0xa0: {  	v0 =	vld [tilespmem:s21+$0x1C00];
	_ =	sdelay $0x4  }
0xa1: {  	[tilespmem:s20+$0x1C00] =	vst.add.f32.msk $0xffff, v0  }
0xa2: {  	v0 =	vld [tilespmem:s21+$0x1C10];
	_ =	sdelay $0x4  }
0xa3: {  	[tilespmem:s20+$0x1C10] =	vst.add.f32.msk $0xffff, v0  }
0xa4: {  	v0 =	vld [tilespmem:s21+$0x1C20];
	_ =	sdelay $0x4  }
0xa5: {  	[tilespmem:s20+$0x1C20] =	vst.add.f32.msk $0xffff, v0  }
0xa6: {  	v0 =	vld [tilespmem:s21+$0x1C30];
	_ =	sdelay $0x4  }
0xa7: {  	[tilespmem:s20+$0x1C30] =	vst.add.f32.msk $0xffff, v0  }
0xa8: {  	v0 =	vld [tilespmem:s21+$0x1C40];
	_ =	sdelay $0x4  }
0xa9: {  	[tilespmem:s20+$0x1C40] =	vst.add.f32.msk $0xffff, v0  }
0xaa: {  	v0 =	vld [tilespmem:s21+$0x1C50];
	_ =	sdelay $0x4  }
0xab: {  	[tilespmem:s20+$0x1C50] =	vst.add.f32.msk $0xffff, v0  }
0xac: {  	v0 =	vld [tilespmem:s21+$0x1C60];
	_ =	sdelay $0x4  }
0xad: {  	[tilespmem:s20+$0x1C60] =	vst.add.f32.msk $0xffff, v0  }
0xae: {  	v0 =	vld [tilespmem:s21+$0x1C70];
	_ =	sdelay $0x1  }
0xaf: {  	s31 =	simm.s32 $0x400  }
0xb0: {  	s24 =	sand.u32 $0x2000, s31;
	s22 =	simm.s32 $0x800;
	s21 =	simm.s32 $0x80  }
.LBB2_7:
0xb1: {  	p0 =	sne.s32 s22, $0x3C00;
	s25 =	sand.u32 $0x380, s21;
	s23 =	sadd.s32 s24, s19  }
0xb2: {  	s23 =	sadd.s32 s25, s23;
	[tilespmem:s20+$0x1C70] =	vst.add.f32.msk $0xffff, v0  }
0xb3: {  	v0 =	vld [tilespmem:s23+$0x0];
	_ =	sdelay $0x2  }
0xb4: {  	s20 =	sadd.s32 s24, s18  }
0xb5: {  	s20 =	sadd.s32 s25, s20  }
0xb6: {  	[tilespmem:s20+$0x0] =	vst.add.f32.msk $0xffff, v0  }
0xb7: {  	v0 =	vld [tilespmem:s23+$0x10];
	_ =	sdelay $0x4  }
0xb8: {  	[tilespmem:s20+$0x10] =	vst.add.f32.msk $0xffff, v0  }
0xb9: {  	v0 =	vld [tilespmem:s23+$0x20];
	_ =	sdelay $0x4  }
0xba: {  	[tilespmem:s20+$0x20] =	vst.add.f32.msk $0xffff, v0  }
0xbb: {  	v0 =	vld [tilespmem:s23+$0x30];
	_ =	sdelay $0x4  }
0xbc: {  	[tilespmem:s20+$0x30] =	vst.add.f32.msk $0xffff, v0  }
0xbd: {  	v0 =	vld [tilespmem:s23+$0x40];
	_ =	sdelay $0x4  }
0xbe: {  	[tilespmem:s20+$0x40] =	vst.add.f32.msk $0xffff, v0  }
0xbf: {  	v0 =	vld [tilespmem:s23+$0x50];
	_ =	sdelay $0x4  }
0xc0: {  	[tilespmem:s20+$0x50] =	vst.add.f32.msk $0xffff, v0  }
0xc1: {  	v0 =	vld [tilespmem:s23+$0x60];
	_ =	sdelay $0x4  }
0xc2: {  	[tilespmem:s20+$0x60] =	vst.add.f32.msk $0xffff, v0  }
0xc3: {  	v0 =	vld [tilespmem:s23+$0x70];
	_ =	sdelay $0x4  }
0xc4: {  	[tilespmem:s20+$0x70] =	vst.add.f32.msk $0xffff, v0  }
0xc5: {  	v0 =	vld [tilespmem:s23+$0x400];
	_ =	sdelay $0x4  }
0xc6: {  	[tilespmem:s20+$0x400] =	vst.add.f32.msk $0xffff, v0  }
0xc7: {  	v0 =	vld [tilespmem:s23+$0x410];
	_ =	sdelay $0x4  }
0xc8: {  	[tilespmem:s20+$0x410] =	vst.add.f32.msk $0xffff, v0  }
0xc9: {  	v0 =	vld [tilespmem:s23+$0x420];
	_ =	sdelay $0x4  }
0xca: {  	[tilespmem:s20+$0x420] =	vst.add.f32.msk $0xffff, v0  }
0xcb: {  	v0 =	vld [tilespmem:s23+$0x430];
	_ =	sdelay $0x4  }
0xcc: {  	[tilespmem:s20+$0x430] =	vst.add.f32.msk $0xffff, v0  }
0xcd: {  	v0 =	vld [tilespmem:s23+$0x440];
	_ =	sdelay $0x4  }
0xce: {  	[tilespmem:s20+$0x440] =	vst.add.f32.msk $0xffff, v0  }
0xcf: {  	v0 =	vld [tilespmem:s23+$0x450];
	_ =	sdelay $0x4  }
0xd0: {  	[tilespmem:s20+$0x450] =	vst.add.f32.msk $0xffff, v0  }
0xd1: {  	v0 =	vld [tilespmem:s23+$0x460];
	_ =	sdelay $0x4  }
0xd2: {  	[tilespmem:s20+$0x460] =	vst.add.f32.msk $0xffff, v0  }
0xd3: {  	v0 =	vld [tilespmem:s23+$0x470];
	_ =	sdelay $0x4  }
0xd4: {  	[tilespmem:s20+$0x470] =	vst.add.f32.msk $0xffff, v0  }
0xd5: {  	v0 =	vld [tilespmem:s23+$0x800];
	_ =	sdelay $0x4  }
0xd6: {  	[tilespmem:s20+$0x800] =	vst.add.f32.msk $0xffff, v0  }
0xd7: {  	v0 =	vld [tilespmem:s23+$0x810];
	_ =	sdelay $0x4  }
0xd8: {  	[tilespmem:s20+$0x810] =	vst.add.f32.msk $0xffff, v0  }
0xd9: {  	v0 =	vld [tilespmem:s23+$0x820];
	_ =	sdelay $0x4  }
0xda: {  	[tilespmem:s20+$0x820] =	vst.add.f32.msk $0xffff, v0  }
0xdb: {  	v0 =	vld [tilespmem:s23+$0x830];
	_ =	sdelay $0x4  }
0xdc: {  	[tilespmem:s20+$0x830] =	vst.add.f32.msk $0xffff, v0  }
0xdd: {  	v0 =	vld [tilespmem:s23+$0x840];
	_ =	sdelay $0x4  }
0xde: {  	[tilespmem:s20+$0x840] =	vst.add.f32.msk $0xffff, v0  }
0xdf: {  	v0 =	vld [tilespmem:s23+$0x850];
	_ =	sdelay $0x4  }
0xe0: {  	[tilespmem:s20+$0x850] =	vst.add.f32.msk $0xffff, v0  }
0xe1: {  	v0 =	vld [tilespmem:s23+$0x860];
	_ =	sdelay $0x4  }
0xe2: {  	[tilespmem:s20+$0x860] =	vst.add.f32.msk $0xffff, v0  }
0xe3: {  	v0 =	vld [tilespmem:s23+$0x870];
	_ =	sdelay $0x4  }
0xe4: {  	[tilespmem:s20+$0x870] =	vst.add.f32.msk $0xffff, v0  }
0xe5: {  	v0 =	vld [tilespmem:s23+$0xC00];
	_ =	sdelay $0x4  }
0xe6: {  	[tilespmem:s20+$0xC00] =	vst.add.f32.msk $0xffff, v0  }
0xe7: {  	v0 =	vld [tilespmem:s23+$0xC10];
	_ =	sdelay $0x4  }
0xe8: {  	[tilespmem:s20+$0xC10] =	vst.add.f32.msk $0xffff, v0  }
0xe9: {  	v0 =	vld [tilespmem:s23+$0xC20];
	_ =	sdelay $0x4  }
0xea: {  	[tilespmem:s20+$0xC20] =	vst.add.f32.msk $0xffff, v0  }
0xeb: {  	v0 =	vld [tilespmem:s23+$0xC30];
	_ =	sdelay $0x4  }
0xec: {  	[tilespmem:s20+$0xC30] =	vst.add.f32.msk $0xffff, v0  }
0xed: {  	v0 =	vld [tilespmem:s23+$0xC40];
	_ =	sdelay $0x4  }
0xee: {  	[tilespmem:s20+$0xC40] =	vst.add.f32.msk $0xffff, v0  }
0xef: {  	v0 =	vld [tilespmem:s23+$0xC50];
	_ =	sdelay $0x4  }
0xf0: {  	[tilespmem:s20+$0xC50] =	vst.add.f32.msk $0xffff, v0  }
0xf1: {  	v0 =	vld [tilespmem:s23+$0xC60];
	_ =	sdelay $0x4  }
0xf2: {  	[tilespmem:s20+$0xC60] =	vst.add.f32.msk $0xffff, v0  }
0xf3: {  	v0 =	vld [tilespmem:s23+$0xC70];
	_ =	sdelay $0x4  }
0xf4: {  	[tilespmem:s20+$0xC70] =	vst.add.f32.msk $0xffff, v0  }
0xf5: {  	v0 =	vld [tilespmem:s23+$0x1000];
	_ =	sdelay $0x4  }
0xf6: {  	[tilespmem:s20+$0x1000] =	vst.add.f32.msk $0xffff, v0  }
0xf7: {  	v0 =	vld [tilespmem:s23+$0x1010];
	_ =	sdelay $0x4  }
0xf8: {  	[tilespmem:s20+$0x1010] =	vst.add.f32.msk $0xffff, v0  }
0xf9: {  	v0 =	vld [tilespmem:s23+$0x1020];
	_ =	sdelay $0x4  }
0xfa: {  	[tilespmem:s20+$0x1020] =	vst.add.f32.msk $0xffff, v0  }
0xfb: {  	v0 =	vld [tilespmem:s23+$0x1030];
	_ =	sdelay $0x4  }
0xfc: {  	[tilespmem:s20+$0x1030] =	vst.add.f32.msk $0xffff, v0  }
0xfd: {  	v0 =	vld [tilespmem:s23+$0x1040];
	_ =	sdelay $0x4  }
0xfe: {  	[tilespmem:s20+$0x1040] =	vst.add.f32.msk $0xffff, v0  }
0xff: {  	v0 =	vld [tilespmem:s23+$0x1050];
	_ =	sdelay $0x4  }
0x100: {  	[tilespmem:s20+$0x1050] =	vst.add.f32.msk $0xffff, v0  }
0x101: {  	v0 =	vld [tilespmem:s23+$0x1060];
	_ =	sdelay $0x4  }
0x102: {  	[tilespmem:s20+$0x1060] =	vst.add.f32.msk $0xffff, v0  }
0x103: {  	v0 =	vld [tilespmem:s23+$0x1070];
	_ =	sdelay $0x4  }
0x104: {  	[tilespmem:s20+$0x1070] =	vst.add.f32.msk $0xffff, v0  }
0x105: {  	v0 =	vld [tilespmem:s23+$0x1400];
	_ =	sdelay $0x4  }
0x106: {  	[tilespmem:s20+$0x1400] =	vst.add.f32.msk $0xffff, v0  }
0x107: {  	v0 =	vld [tilespmem:s23+$0x1410];
	_ =	sdelay $0x4  }
0x108: {  	[tilespmem:s20+$0x1410] =	vst.add.f32.msk $0xffff, v0  }
0x109: {  	v0 =	vld [tilespmem:s23+$0x1420];
	_ =	sdelay $0x4  }
0x10a: {  	[tilespmem:s20+$0x1420] =	vst.add.f32.msk $0xffff, v0  }
0x10b: {  	v0 =	vld [tilespmem:s23+$0x1430];
	_ =	sdelay $0x4  }
0x10c: {  	[tilespmem:s20+$0x1430] =	vst.add.f32.msk $0xffff, v0  }
0x10d: {  	v0 =	vld [tilespmem:s23+$0x1440];
	_ =	sdelay $0x4  }
0x10e: {  	[tilespmem:s20+$0x1440] =	vst.add.f32.msk $0xffff, v0  }
0x10f: {  	v0 =	vld [tilespmem:s23+$0x1450];
	_ =	sdelay $0x4  }
0x110: {  	[tilespmem:s20+$0x1450] =	vst.add.f32.msk $0xffff, v0  }
0x111: {  	v0 =	vld [tilespmem:s23+$0x1460];
	_ =	sdelay $0x4  }
0x112: {  	[tilespmem:s20+$0x1460] =	vst.add.f32.msk $0xffff, v0  }
0x113: {  	v0 =	vld [tilespmem:s23+$0x1470];
	_ =	sdelay $0x4  }
0x114: {  	[tilespmem:s20+$0x1470] =	vst.add.f32.msk $0xffff, v0  }
0x115: {  	v0 =	vld [tilespmem:s23+$0x1800];
	_ =	sdelay $0x4  }
0x116: {  	[tilespmem:s20+$0x1800] =	vst.add.f32.msk $0xffff, v0  }
0x117: {  	v0 =	vld [tilespmem:s23+$0x1810];
	_ =	sdelay $0x4  }
0x118: {  	[tilespmem:s20+$0x1810] =	vst.add.f32.msk $0xffff, v0  }
0x119: {  	v0 =	vld [tilespmem:s23+$0x1820];
	_ =	sdelay $0x4  }
0x11a: {  	[tilespmem:s20+$0x1820] =	vst.add.f32.msk $0xffff, v0  }
0x11b: {  	v0 =	vld [tilespmem:s23+$0x1830];
	_ =	sdelay $0x4  }
0x11c: {  	[tilespmem:s20+$0x1830] =	vst.add.f32.msk $0xffff, v0  }
0x11d: {  	v0 =	vld [tilespmem:s23+$0x1840];
	_ =	sdelay $0x4  }
0x11e: {  	[tilespmem:s20+$0x1840] =	vst.add.f32.msk $0xffff, v0  }
0x11f: {  	v0 =	vld [tilespmem:s23+$0x1850];
	_ =	sdelay $0x4  }
0x120: {  	[tilespmem:s20+$0x1850] =	vst.add.f32.msk $0xffff, v0  }
0x121: {  	v0 =	vld [tilespmem:s23+$0x1860];
	_ =	sdelay $0x4  }
0x122: {  	[tilespmem:s20+$0x1860] =	vst.add.f32.msk $0xffff, v0  }
0x123: {  	v0 =	vld [tilespmem:s23+$0x1870];
	_ =	sdelay $0x4  }
0x124: {  	[tilespmem:s20+$0x1870] =	vst.add.f32.msk $0xffff, v0  }
0x125: {  	v0 =	vld [tilespmem:s23+$0x1C00];
	_ =	sdelay $0x4  }
0x126: {  	[tilespmem:s20+$0x1C00] =	vst.add.f32.msk $0xffff, v0  }
0x127: {  	v0 =	vld [tilespmem:s23+$0x1C10];
	_ =	sdelay $0x4  }
0x128: {  	[tilespmem:s20+$0x1C10] =	vst.add.f32.msk $0xffff, v0  }
0x129: {  	v0 =	vld [tilespmem:s23+$0x1C20];
	_ =	sdelay $0x4  }
0x12a: {  	[tilespmem:s20+$0x1C20] =	vst.add.f32.msk $0xffff, v0  }
0x12b: {  	v0 =	vld [tilespmem:s23+$0x1C30];
	_ =	sdelay $0x4  }
0x12c: {  	[tilespmem:s20+$0x1C30] =	vst.add.f32.msk $0xffff, v0  }
0x12d: {  	v0 =	vld [tilespmem:s23+$0x1C40];
	_ =	sdelay $0x4  }
0x12e: {  	[tilespmem:s20+$0x1C40] =	vst.add.f32.msk $0xffff, v0  }
0x12f: {  	v0 =	vld [tilespmem:s23+$0x1C50];
	_ =	sdelay $0x4  }
0x130: {  	[tilespmem:s20+$0x1C50] =	vst.add.f32.msk $0xffff, v0  }
0x131: {  	v0 =	vld [tilespmem:s23+$0x1C60];
	_ =	sdelay $0x4  }
.Ltmp2:
0x132: {  	[tilespmem:s20+$0x1C60] =	vst.add.f32.msk $0xffff, v0;
	(pc) =	sbr.rel @p0 .LBB2_7-.Ltmp2, $2  }
0x133: {  	v0 =	vld [tilespmem:s23+$0x1C70];
	_ =	sdelay $0x2  }
0x134: {  	s21 =	sadd.s32 $0x80, s21;
	s24 =	sand.u32 $0x2000, s22;
	s22 =	sadd.s32 $0x400, s22  }
0x135: {  	s21 =	sand.u32 $0x380, s21;
	s19 =	sadd.s32 s24, s19  }
0x136: {  	s19 =	sadd.s32 s21, s19;
	[tilespmem:s20+$0x1C70] =	vst.add.f32.msk $0xffff, v0  }
0x137: {  	v0 =	vld [tilespmem:s19+$0x0];
	_ =	sdelay $0x2  }
0x138: {  	s31 =	sadd.s32 s24, s18  }
0x139: {  	s20 =	sadd.s32 s21, s31  }
0x13a: {  	[tilespmem:s20+$0x0] =	vst.add.f32.msk $0xffff, v0  }
0x13b: {  	v0 =	vld [tilespmem:s19+$0x10];
	_ =	sdelay $0x4  }
0x13c: {  	[tilespmem:s20+$0x10] =	vst.add.f32.msk $0xffff, v0  }
0x13d: {  	v0 =	vld [tilespmem:s19+$0x20];
	_ =	sdelay $0x4  }
0x13e: {  	[tilespmem:s20+$0x20] =	vst.add.f32.msk $0xffff, v0  }
0x13f: {  	v0 =	vld [tilespmem:s19+$0x30];
	_ =	sdelay $0x4  }
0x140: {  	[tilespmem:s20+$0x30] =	vst.add.f32.msk $0xffff, v0  }
0x141: {  	v0 =	vld [tilespmem:s19+$0x40];
	_ =	sdelay $0x4  }
0x142: {  	[tilespmem:s20+$0x40] =	vst.add.f32.msk $0xffff, v0  }
0x143: {  	v0 =	vld [tilespmem:s19+$0x50];
	_ =	sdelay $0x4  }
0x144: {  	[tilespmem:s20+$0x50] =	vst.add.f32.msk $0xffff, v0  }
0x145: {  	v0 =	vld [tilespmem:s19+$0x60];
	_ =	sdelay $0x4  }
0x146: {  	[tilespmem:s20+$0x60] =	vst.add.f32.msk $0xffff, v0  }
0x147: {  	v0 =	vld [tilespmem:s19+$0x70];
	_ =	sdelay $0x4  }
0x148: {  	[tilespmem:s20+$0x70] =	vst.add.f32.msk $0xffff, v0  }
0x149: {  	v0 =	vld [tilespmem:s19+$0x400];
	_ =	sdelay $0x4  }
0x14a: {  	[tilespmem:s20+$0x400] =	vst.add.f32.msk $0xffff, v0  }
0x14b: {  	v0 =	vld [tilespmem:s19+$0x410];
	_ =	sdelay $0x4  }
0x14c: {  	[tilespmem:s20+$0x410] =	vst.add.f32.msk $0xffff, v0  }
0x14d: {  	v0 =	vld [tilespmem:s19+$0x420];
	_ =	sdelay $0x4  }
0x14e: {  	[tilespmem:s20+$0x420] =	vst.add.f32.msk $0xffff, v0  }
0x14f: {  	v0 =	vld [tilespmem:s19+$0x430];
	_ =	sdelay $0x4  }
0x150: {  	[tilespmem:s20+$0x430] =	vst.add.f32.msk $0xffff, v0  }
0x151: {  	v0 =	vld [tilespmem:s19+$0x440];
	_ =	sdelay $0x4  }
0x152: {  	[tilespmem:s20+$0x440] =	vst.add.f32.msk $0xffff, v0  }
0x153: {  	v0 =	vld [tilespmem:s19+$0x450];
	_ =	sdelay $0x4  }
0x154: {  	[tilespmem:s20+$0x450] =	vst.add.f32.msk $0xffff, v0  }
0x155: {  	v0 =	vld [tilespmem:s19+$0x460];
	_ =	sdelay $0x4  }
0x156: {  	[tilespmem:s20+$0x460] =	vst.add.f32.msk $0xffff, v0  }
0x157: {  	v0 =	vld [tilespmem:s19+$0x470];
	_ =	sdelay $0x4  }
0x158: {  	[tilespmem:s20+$0x470] =	vst.add.f32.msk $0xffff, v0  }
0x159: {  	v0 =	vld [tilespmem:s19+$0x800];
	_ =	sdelay $0x4  }
0x15a: {  	[tilespmem:s20+$0x800] =	vst.add.f32.msk $0xffff, v0  }
0x15b: {  	v0 =	vld [tilespmem:s19+$0x810];
	_ =	sdelay $0x4  }
0x15c: {  	[tilespmem:s20+$0x810] =	vst.add.f32.msk $0xffff, v0  }
0x15d: {  	v0 =	vld [tilespmem:s19+$0x820];
	_ =	sdelay $0x4  }
0x15e: {  	[tilespmem:s20+$0x820] =	vst.add.f32.msk $0xffff, v0  }
0x15f: {  	v0 =	vld [tilespmem:s19+$0x830];
	_ =	sdelay $0x4  }
0x160: {  	[tilespmem:s20+$0x830] =	vst.add.f32.msk $0xffff, v0  }
0x161: {  	v0 =	vld [tilespmem:s19+$0x840];
	_ =	sdelay $0x4  }
0x162: {  	[tilespmem:s20+$0x840] =	vst.add.f32.msk $0xffff, v0  }
0x163: {  	v0 =	vld [tilespmem:s19+$0x850];
	_ =	sdelay $0x4  }
0x164: {  	[tilespmem:s20+$0x850] =	vst.add.f32.msk $0xffff, v0  }
0x165: {  	v0 =	vld [tilespmem:s19+$0x860];
	_ =	sdelay $0x4  }
0x166: {  	[tilespmem:s20+$0x860] =	vst.add.f32.msk $0xffff, v0  }
0x167: {  	v0 =	vld [tilespmem:s19+$0x870];
	_ =	sdelay $0x4  }
0x168: {  	[tilespmem:s20+$0x870] =	vst.add.f32.msk $0xffff, v0  }
0x169: {  	v0 =	vld [tilespmem:s19+$0xC00];
	_ =	sdelay $0x4  }
0x16a: {  	[tilespmem:s20+$0xC00] =	vst.add.f32.msk $0xffff, v0  }
0x16b: {  	v0 =	vld [tilespmem:s19+$0xC10];
	_ =	sdelay $0x4  }
0x16c: {  	[tilespmem:s20+$0xC10] =	vst.add.f32.msk $0xffff, v0  }
0x16d: {  	v0 =	vld [tilespmem:s19+$0xC20];
	_ =	sdelay $0x4  }
0x16e: {  	[tilespmem:s20+$0xC20] =	vst.add.f32.msk $0xffff, v0  }
0x16f: {  	v0 =	vld [tilespmem:s19+$0xC30];
	_ =	sdelay $0x4  }
0x170: {  	[tilespmem:s20+$0xC30] =	vst.add.f32.msk $0xffff, v0  }
0x171: {  	v0 =	vld [tilespmem:s19+$0xC40];
	_ =	sdelay $0x4  }
0x172: {  	[tilespmem:s20+$0xC40] =	vst.add.f32.msk $0xffff, v0  }
0x173: {  	v0 =	vld [tilespmem:s19+$0xC50];
	_ =	sdelay $0x4  }
0x174: {  	[tilespmem:s20+$0xC50] =	vst.add.f32.msk $0xffff, v0  }
0x175: {  	v0 =	vld [tilespmem:s19+$0xC60];
	_ =	sdelay $0x4  }
0x176: {  	[tilespmem:s20+$0xC60] =	vst.add.f32.msk $0xffff, v0  }
0x177: {  	v0 =	vld [tilespmem:s19+$0xC70];
	_ =	sdelay $0x4  }
0x178: {  	[tilespmem:s20+$0xC70] =	vst.add.f32.msk $0xffff, v0  }
0x179: {  	v0 =	vld [tilespmem:s19+$0x1000];
	_ =	sdelay $0x4  }
0x17a: {  	[tilespmem:s20+$0x1000] =	vst.add.f32.msk $0xffff, v0  }
0x17b: {  	v0 =	vld [tilespmem:s19+$0x1010];
	_ =	sdelay $0x4  }
0x17c: {  	[tilespmem:s20+$0x1010] =	vst.add.f32.msk $0xffff, v0  }
0x17d: {  	v0 =	vld [tilespmem:s19+$0x1020];
	_ =	sdelay $0x4  }
0x17e: {  	[tilespmem:s20+$0x1020] =	vst.add.f32.msk $0xffff, v0  }
0x17f: {  	v0 =	vld [tilespmem:s19+$0x1030];
	_ =	sdelay $0x4  }
0x180: {  	[tilespmem:s20+$0x1030] =	vst.add.f32.msk $0xffff, v0  }
0x181: {  	v0 =	vld [tilespmem:s19+$0x1040];
	_ =	sdelay $0x4  }
0x182: {  	[tilespmem:s20+$0x1040] =	vst.add.f32.msk $0xffff, v0  }
0x183: {  	v0 =	vld [tilespmem:s19+$0x1050];
	_ =	sdelay $0x4  }
0x184: {  	[tilespmem:s20+$0x1050] =	vst.add.f32.msk $0xffff, v0  }
0x185: {  	v0 =	vld [tilespmem:s19+$0x1060];
	_ =	sdelay $0x4  }
0x186: {  	[tilespmem:s20+$0x1060] =	vst.add.f32.msk $0xffff, v0  }
0x187: {  	v0 =	vld [tilespmem:s19+$0x1070];
	_ =	sdelay $0x4  }
0x188: {  	[tilespmem:s20+$0x1070] =	vst.add.f32.msk $0xffff, v0  }
0x189: {  	v0 =	vld [tilespmem:s19+$0x1400];
	_ =	sdelay $0x4  }
0x18a: {  	[tilespmem:s20+$0x1400] =	vst.add.f32.msk $0xffff, v0  }
0x18b: {  	v0 =	vld [tilespmem:s19+$0x1410];
	_ =	sdelay $0x4  }
0x18c: {  	[tilespmem:s20+$0x1410] =	vst.add.f32.msk $0xffff, v0  }
0x18d: {  	v0 =	vld [tilespmem:s19+$0x1420];
	_ =	sdelay $0x4  }
0x18e: {  	[tilespmem:s20+$0x1420] =	vst.add.f32.msk $0xffff, v0  }
0x18f: {  	v0 =	vld [tilespmem:s19+$0x1430];
	_ =	sdelay $0x4  }
0x190: {  	[tilespmem:s20+$0x1430] =	vst.add.f32.msk $0xffff, v0  }
0x191: {  	v0 =	vld [tilespmem:s19+$0x1440];
	_ =	sdelay $0x4  }
0x192: {  	[tilespmem:s20+$0x1440] =	vst.add.f32.msk $0xffff, v0  }
0x193: {  	v0 =	vld [tilespmem:s19+$0x1450];
	_ =	sdelay $0x4  }
0x194: {  	[tilespmem:s20+$0x1450] =	vst.add.f32.msk $0xffff, v0  }
0x195: {  	v0 =	vld [tilespmem:s19+$0x1460];
	_ =	sdelay $0x4  }
0x196: {  	[tilespmem:s20+$0x1460] =	vst.add.f32.msk $0xffff, v0  }
0x197: {  	v0 =	vld [tilespmem:s19+$0x1470];
	_ =	sdelay $0x4  }
0x198: {  	[tilespmem:s20+$0x1470] =	vst.add.f32.msk $0xffff, v0  }
0x199: {  	v0 =	vld [tilespmem:s19+$0x1800];
	_ =	sdelay $0x4  }
0x19a: {  	[tilespmem:s20+$0x1800] =	vst.add.f32.msk $0xffff, v0  }
0x19b: {  	v0 =	vld [tilespmem:s19+$0x1810];
	_ =	sdelay $0x4  }
0x19c: {  	[tilespmem:s20+$0x1810] =	vst.add.f32.msk $0xffff, v0  }
0x19d: {  	v0 =	vld [tilespmem:s19+$0x1820];
	_ =	sdelay $0x4  }
0x19e: {  	[tilespmem:s20+$0x1820] =	vst.add.f32.msk $0xffff, v0  }
0x19f: {  	v0 =	vld [tilespmem:s19+$0x1830];
	_ =	sdelay $0x4  }
0x1a0: {  	[tilespmem:s20+$0x1830] =	vst.add.f32.msk $0xffff, v0  }
0x1a1: {  	v0 =	vld [tilespmem:s19+$0x1840];
	_ =	sdelay $0x4  }
0x1a2: {  	[tilespmem:s20+$0x1840] =	vst.add.f32.msk $0xffff, v0  }
0x1a3: {  	v0 =	vld [tilespmem:s19+$0x1850];
	_ =	sdelay $0x4  }
0x1a4: {  	[tilespmem:s20+$0x1850] =	vst.add.f32.msk $0xffff, v0  }
0x1a5: {  	v0 =	vld [tilespmem:s19+$0x1860];
	_ =	sdelay $0x4  }
0x1a6: {  	[tilespmem:s20+$0x1860] =	vst.add.f32.msk $0xffff, v0  }
0x1a7: {  	v0 =	vld [tilespmem:s19+$0x1870];
	_ =	sdelay $0x4  }
0x1a8: {  	[tilespmem:s20+$0x1870] =	vst.add.f32.msk $0xffff, v0  }
0x1a9: {  	v0 =	vld [tilespmem:s19+$0x1C00];
	_ =	sdelay $0x4  }
0x1aa: {  	[tilespmem:s20+$0x1C00] =	vst.add.f32.msk $0xffff, v0  }
0x1ab: {  	v0 =	vld [tilespmem:s19+$0x1C10];
	_ =	sdelay $0x4  }
0x1ac: {  	[tilespmem:s20+$0x1C10] =	vst.add.f32.msk $0xffff, v0  }
0x1ad: {  	v0 =	vld [tilespmem:s19+$0x1C20];
	_ =	sdelay $0x4  }
0x1ae: {  	[tilespmem:s20+$0x1C20] =	vst.add.f32.msk $0xffff, v0  }
0x1af: {  	v0 =	vld [tilespmem:s19+$0x1C30];
	_ =	sdelay $0x4  }
0x1b0: {  	[tilespmem:s20+$0x1C30] =	vst.add.f32.msk $0xffff, v0  }
0x1b1: {  	v0 =	vld [tilespmem:s19+$0x1C40];
	_ =	sdelay $0x4  }
0x1b2: {  	[tilespmem:s20+$0x1C40] =	vst.add.f32.msk $0xffff, v0  }
0x1b3: {  	v0 =	vld [tilespmem:s19+$0x1C50];
	_ =	sdelay $0x4  }
0x1b4: {  	[tilespmem:s20+$0x1C50] =	vst.add.f32.msk $0xffff, v0  }
0x1b5: {  	v0 =	vld [tilespmem:s19+$0x1C60];
	_ =	sdelay $0x4  }
0x1b6: {  	[tilespmem:s20+$0x1C60] =	vst.add.f32.msk $0xffff, v0  }
0x1b7: {  	v0 =	vld [tilespmem:s19+$0x1C70]  }
0x1b8: {  	p0 =	sne.s32 s14, $0x20  }
.Ltmp3:
0x1b9: {  	_ = 	snop;
	(pc) =	sbr.rel @p0 .LBB2_2-.Ltmp3, $4  }
0x1ba: {  	s17 =	sshll.u32 s17, $0x13  }
0x1bb: {  	s16 =	sshll.u32 s16, $0xB;
	s17 =	sadd.s32 s17, s8  }
0x1bc: {  	s15 =	sadd.s32 $0x5, s15;
	s16 =	sadd.s32 s16, s17;
	s17 =	smov.u32 s14;
	[tilespmem:s20+$0x1C70] =	vst.add.f32.msk $0xffff, v0  }
0x1bd: {  	[hbm4b:s16+s4] =	stream.linear.scatter [tilespmem:s18], [sflag:s15], $0x4000, $0x38;
	[tilespmem:$0x10000] =	vst v63  }
0x1be: {  	s13 =	sadd.s32 $0x1, s13  }
0x1bf: {  	_ =	swait.ge [sflag:s11], $0x4000;
	p0 =	sne.s32 s13, s9  }
.Ltmp4:
0x1c0: {  	[sflag:s11] =	ssyncset.done $0x0;
	(pc) =	sbr.rel @p0 .LBB2_1-.Ltmp4, $4  }
0x1c1: {  	[sflag:s11] =	ssyncadd.s32 $0xFFFFC000  }
0x1c2: {  	_ =	swait.ge [sflag:s12], $0x4000  }
0x1c3: {  	[sflag:s12] =	ssyncset.done $0x0  }
0x1c4: {  	[sflag:s12] =	ssyncadd.s32 $0xFFFFC000  }
0x1c5: {  	_ =	sfence.sel $0x180000  }
0x1c6: {  	[bflag:$0x0] =	sbarrier.arrive $0xFFFF  }
0x1c7: {  	p0 =	sne.s32 s3, $0x0;
	_ =	strace $0x90000047  }
0x1c8: {  	s0 =	sadd.s32 @!p0 $0x100000, s0;
	[bflag:$0x2] =	sbarrier.arrive $0xFFFF  }
0x1c9: {  	[sflag:s0] =	ssyncadd.tile.s32 @!p0 $0x1;
	_ =	shalt  }
.Lfunc_end2:
_tile_overlayer_lowered:
.L_overlay_start_2:
0x1ca: {  	(tag) =	ssettag $0x2  }
0x1cb: {  	s0 =	rddreg [dreg:$0x0];
	s2 =	stileid.u32  }
0x1cc: {  	s1 =	rddreg [dreg:$0x1];
	p0 =	sne.s32 s2, $0x0  }
0x1cd: {  	s3 =	rddreg [dreg:$0x2];
	[bflag:$0x3] =	sbarrier.arrive $0xFFFF;
	s2 =	simm.s32 @!p0 $0x1C07  }
0x1ce: {  	[timem:s3], [sflag:s2] =	dma.local @!p0 [hbm:s0], s1  }
0x1cf: {  	s0 =	simm.s32 @!p0 $0x7  }
0x1d0: {  	_ =	swait.ge @!p0 [sflag:s0], s1  }
0x1d1: {  	s1 =	ssub.s32 @!p0 $0x0, s1;
	[sflag:s0] =	ssyncset.done @!p0 $0x0  }
0x1d2: {  	[sflag:s0] =	ssyncadd.s32 @!p0 s1  }
0x1d3: {  	[bflag:$0x3] =	sbarrier.arrive $0xFFFF  }
0x1d4: {  	_ =	shalt  }

</sc_bundles>
